<compile_context>
chip_gen: v7x
topology: tpu7x:2x2x1
jax: 0.10.2.dev20260603
libtpu: 0.0.44.dev20260713+nightly
codegen_flags: <defaults>
</compile_context>

<pallas_src>
import functools

import jax
import jax.numpy as jnp
from jax import lax
from jax.experimental import pallas as pl
from jax.experimental.pallas import tpu as pltpu
from jax.experimental.pallas import tpu_sc as plsc

K = 32
BLOCK_ROWS = 256

NUM_WORKERS = 32
BATCH = 16
NGROUPS = 32
CAP = 256
MAX_BISECT = 33
LATENT_DIM_STATIC = 3072


def _enc_block(x_ref, b_pre_ref, w_enc_ref, b_enc_ref, lat_ref):
    x_c = x_ref[...] - b_pre_ref[...]
    lat_ref[...] = jax.lax.dot_general(
        x_c, w_enc_ref[...], (((1,), (1,)), ((), ())),
        preferred_element_type=jnp.float32,
    ) + b_enc_ref[...]


def _dec_block(lat_ref, t_ref, b_pre_ref, w_dec_ref, b_dec_ref,
               recon_ref, sparse_ref):
    lat = lat_ref[...]
    t = t_ref[...]
    sparse = jnp.where(lat >= t, lat, 0.0)
    sparse_ref[...] = sparse
    recon_ref[...] = jax.lax.dot_general(
        sparse, w_dec_ref[...], (((1,), (1,)), ((), ())),
        preferred_element_type=jnp.float32,
    ) + b_dec_ref[...] + b_pre_ref[...]


def _to_sortable(v):
    iv = lax.bitcast_convert_type(v, jnp.int32)
    m = iv >> 31
    s = iv ^ (m | jnp.int32(-2147483648))
    return lax.bitcast_convert_type(s, jnp.uint32)


def _from_sortable(s):
    si = lax.bitcast_convert_type(s, jnp.int32)
    neg = si >= 0
    b = jnp.where(neg, ~si, si ^ jnp.int32(-2147483648))
    return lax.bitcast_convert_type(b, jnp.float32)


def _sc_thresh_body(lat_hbm, out_hbm, buf, cand, tstage):
    latent_dim = LATENT_DIM_STATIC
    n = lat_hbm.shape[0] // latent_dim
    rows_per_worker = n // NUM_WORKERS
    nbatch = rows_per_worker // BATCH
    gsize = latent_dim // NGROUPS

    wid = lax.axis_index("s") * 2 + lax.axis_index("c")
    base = wid * rows_per_worker

    lanes = lax.iota(jnp.int32, BATCH)
    row_off = lanes * latent_dim
    neg_inf = jnp.full((BATCH,), -jnp.inf, dtype=jnp.float32)

    def gather_col(col):
        return plsc.load_gather(buf, [row_off + col])

    def bisect(lo_u, hi_u, count_fn):
        t0 = jnp.zeros((BATCH,), jnp.float32)
        done0 = jnp.zeros((BATCH,), jnp.bool_)

        def cond(state):
            i, lo, hi, t, done = state
            ndone = jnp.max(plsc.all_reduce_population_count(done))
            return jnp.logical_and(i < MAX_BISECT, ndone < BATCH)

        def body(state):
            i, lo, hi, t, done = state
            mid_u = lo + ((hi - lo) >> jnp.uint32(1))
            mid_f = _from_sortable(mid_u)
            cnt = count_fn(mid_f)
            ge = cnt >= K
            eq = cnt == K
            upd = jnp.logical_not(done)
            t = jnp.where(jnp.logical_and(upd, eq), mid_f, t)
            done = jnp.logical_or(done, eq)
            lo = jnp.where(jnp.logical_and(upd, ge), mid_u, lo)
            hi = jnp.where(jnp.logical_and(upd, jnp.logical_not(ge)), mid_u, hi)
            return (i + 1, lo, hi, t, done)

        _, lo, hi, t, done = lax.while_loop(
            cond, body, (jnp.int32(0), lo_u, hi_u, t0, done0))
        return jnp.where(done, t, _from_sortable(lo))

    def process_batch(b, _):
        r0 = base + b * BATCH
        pltpu.sync_copy(lat_hbm.at[pl.ds(r0 * latent_dim, BATCH * latent_dim)],
                        buf)

        def group_body(g, la_ua):
            La, Ua = la_ua

            def col_body(j, gm):
                return jnp.maximum(gm, gather_col(g * gsize + j))

            gmax = lax.fori_loop(0, gsize, col_body, neg_inf)
            return (jnp.minimum(La, gmax), jnp.maximum(Ua, gmax))

        L, U = lax.fori_loop(
            0, NGROUPS, group_body,
            (jnp.full((BATCH,), jnp.inf, jnp.float32), neg_inf))

        def fill_body(s, _):
            cand[pl.ds(s * BATCH, BATCH)] = neg_inf
            return 0

        lax.fori_loop(0, CAP, fill_body, 0)

        def collect(col, ptr):
            v = gather_col(col)
            m = v >= L
            slot = jnp.minimum(ptr, CAP - 1)
            plsc.store_scatter(cand, [slot * BATCH + lanes], v, mask=m)
            return ptr + jnp.where(m, 1, 0).astype(jnp.int32)

        ptr = lax.fori_loop(0, latent_dim, collect,
                            jnp.zeros((BATCH,), jnp.int32))
        cmax = jnp.max(ptr)

        lo0 = _to_sortable(L)
        hi0 = _to_sortable(U) + jnp.uint32(1)

        def count_cand(mid_f):
            smax = jnp.minimum(cmax, CAP)

            def sbody(s, cnt):
                v = cand[pl.ds(s * BATCH, BATCH)]
                return cnt + jnp.where(v >= mid_f, 1, 0).astype(jnp.int32)

            return lax.fori_loop(0, smax, sbody,
                                 jnp.zeros((BATCH,), jnp.int32))

        def count_full(mid_f):
            def cbody(col, cnt):
                v = gather_col(col)
                return cnt + jnp.where(v >= mid_f, 1, 0).astype(jnp.int32)

            return lax.fori_loop(0, latent_dim, cbody,
                                 jnp.zeros((BATCH,), jnp.int32))

        t = lax.cond(
            cmax > CAP,
            lambda: bisect(lo0, hi0, count_full),
            lambda: bisect(lo0, hi0, count_cand),
        )

        tstage[pl.ds(b * BATCH, BATCH)] = t
        return 0

    lax.fori_loop(0, nbatch, process_batch, 0)
    pltpu.sync_copy(tstage, out_hbm.at[pl.ds(base, rows_per_worker)])


def kernel(x, b_pre, W_enc, b_enc, W_dec, b_dec):
    n, d = x.shape
    latent_dim = W_enc.shape[0]
    grid = (n // BLOCK_ROWS,)
    b_pre2 = b_pre.reshape(1, d)
    b_enc2 = b_enc.reshape(1, latent_dim)
    b_dec2 = b_dec.reshape(1, d)

    latents = pl.pallas_call(
        _enc_block,
        grid=grid,
        in_specs=[
            pl.BlockSpec((BLOCK_ROWS, d), lambda i: (i, 0)),
            pl.BlockSpec((1, d), lambda i: (0, 0)),
            pl.BlockSpec((latent_dim, d), lambda i: (0, 0)),
            pl.BlockSpec((1, latent_dim), lambda i: (0, 0)),
        ],
        out_specs=pl.BlockSpec((BLOCK_ROWS, latent_dim), lambda i: (i, 0)),
        out_shape=jax.ShapeDtypeStruct((n, latent_dim), jnp.float32),
    )(x, b_pre2, W_enc, b_enc2)

    mesh = plsc.VectorSubcoreMesh(core_axis_name="c", subcore_axis_name="s")
    rows_per_worker = n // NUM_WORKERS
    thresh = pl.kernel(
        _sc_thresh_body,
        mesh=mesh,
        out_type=jax.ShapeDtypeStruct((n,), jnp.float32),
        scratch_types=[
            pltpu.VMEM((BATCH * latent_dim,), jnp.float32),
            pltpu.VMEM((CAP * BATCH,), jnp.float32),
            pltpu.VMEM((rows_per_worker,), jnp.float32),
        ],
        compiler_params=pltpu.CompilerParams(needs_layout_passes=False),
    )(latents.reshape(-1))

    recon, sparse = pl.pallas_call(
        _dec_block,
        grid=grid,
        in_specs=[
            pl.BlockSpec((BLOCK_ROWS, latent_dim), lambda i: (i, 0)),
            pl.BlockSpec((BLOCK_ROWS, 1), lambda i: (i, 0)),
            pl.BlockSpec((1, d), lambda i: (0, 0)),
            pl.BlockSpec((d, latent_dim), lambda i: (0, 0)),
            pl.BlockSpec((1, d), lambda i: (0, 0)),
        ],
        out_specs=[
            pl.BlockSpec((BLOCK_ROWS, d), lambda i: (i, 0)),
            pl.BlockSpec((BLOCK_ROWS, latent_dim), lambda i: (i, 0)),
        ],
        out_shape=[
            jax.ShapeDtypeStruct((n, d), jnp.float32),
            jax.ShapeDtypeStruct((n, latent_dim), jnp.float32),
        ],
    )(latents, thresh.reshape(n, 1), b_pre2, W_dec, b_dec2)
    return (recon, sparse)

# --- scband reference (transcript-rebuilt; emitter-appended) ---
"""Pipeline reference for scband-top-ksae-22565758173711 (READ-ONLY COPY).

The authoritative reference and input builder live on the scoring server;
editing this copy changes nothing except your own understanding.
"""

import jax, jax.numpy as jnp
import numpy as np

INPUT_DIM = 768
EXPANSION = 4
LATENT_DIM = INPUT_DIM * EXPANSION
K = 32
N_TOKENS = 16384


def setup_inputs(seed: int = 0) -> dict:
    key = jax.random.key(seed)
    k1, k2, k3, k4, k5 = jax.random.split(key, 5)
    x = jax.random.normal(k1, (N_TOKENS, INPUT_DIM), dtype=jnp.float32)
    b_pre = jnp.zeros((INPUT_DIM,), dtype=jnp.float32)
    bound_e = 1.0 / np.sqrt(INPUT_DIM)
    W_enc = jax.random.uniform(k2, (LATENT_DIM, INPUT_DIM), jnp.float32, -bound_e, bound_e)
    b_enc = jax.random.uniform(k3, (LATENT_DIM,), jnp.float32, -bound_e, bound_e)
    bound_d = 1.0 / np.sqrt(LATENT_DIM)
    W_dec = jax.random.uniform(k4, (INPUT_DIM, LATENT_DIM), jnp.float32, -bound_d, bound_d)
    b_dec = jax.random.uniform(k5, (INPUT_DIM,), jnp.float32, -bound_d, bound_d)
    return {"x": x, "b_pre": b_pre, "W_enc": W_enc, "b_enc": b_enc, "W_dec": W_dec, "b_dec": b_dec}


def reference(x, b_pre, W_enc, b_enc, W_dec, b_dec):
    x_centered = x - b_pre
    latents = x_centered @ W_enc.T + b_enc
    topk_vals, topk_idx = jax.lax.top_k(latents, K)
    rows = jnp.arange(latents.shape[0])[:, None]
    sparse_latents = jnp.zeros_like(latents).at[rows, topk_idx].set(topk_vals)
    recon = sparse_latents @ W_dec.T + b_dec + b_pre
    return (recon, sparse_latents)

if __name__ == "__main__":
    import jax
    _d = setup_inputs()
    print(jax.jit(kernel)(*tuple(_d.values())))

</pallas_src>

<mosaic_0001>
#map = affine_map<(d0, d1) -> (0)>
module attributes {stable_mosaic.version = 14 : i64} {
  func.func @_sc_thresh_body(%arg0: i32, %arg1: i32, %arg2: memref<50331648xf32, #tpu.memory_space<hbm>>, %arg3: memref<16384xf32, #tpu.memory_space<hbm>>, %arg4: memref<49152xf32, #tpu.memory_space<vmem>>, %arg5: memref<4096xf32, #tpu.memory_space<vmem>>, %arg6: memref<512xf32, #tpu.memory_space<vmem>>) attributes {dimension_semantics = [#tpu.dimension_semantics<core_parallel>, #tpu.dimension_semantics<subcore_parallel>], iteration_bounds = array<i64: 2, 16>, scalar_prefetch = 0 : i64, scratch_operands = 3 : i64, tpu.core_type = #tpu.core_type<sc_vector_subcore>, window_params = [{transform_indices = #map}, {transform_indices = #map}]} {
    %mul3A = arith.constant 2 : i32
    %mul3A_0 = arith.muli %arg1, %mul3A : i32
    %add3A = arith.addi %mul3A_0, %arg0 : i32
    %mul3A_1 = arith.constant 512 : i32
    %mul3A_2 = arith.muli %add3A, %mul3A_1 : i32
    %iota3A = tpu.iota {dimensions = array<i32: 0>} : vector<16xi32>
    %mul3A_3 = arith.constant 3072 : i32
    %mul3A_4 = vector.broadcast %mul3A_3 : i32 to vector<16xi32>
    %mul3A_5 = arith.muli %iota3A, %mul3A_4 : vector<16xi32>
    %broadcast_in_dim3A = arith.constant 0xFF800000 : f32
    %broadcast_in_dim3A_6 = vector.broadcast %broadcast_in_dim3A : f32 to vector<16xf32>
    %scan3A = arith.constant 0 : i32
    %scan3A_7 = arith.constant 0 : i32
    %scan3A_8 = arith.constant 32 : i32
    %scan3A_9 = arith.addi %scan3A_7, %scan3A_8 : i32
    %scan3A_10 = arith.constant 1 : i32
    %scan3A_11 = scf.for %scan3A_13 = %scan3A_7 to %scan3A_9 step %scan3A_10 iter_args(%scan3A_14 = %scan3A) -> (i32)  : i32 {
      %mul3A_15 = arith.constant 16 : i32
      %mul3A_16 = arith.muli %scan3A_13, %mul3A_15 : i32
      %add3A_17 = arith.addi %mul3A_2, %mul3A_16 : i32
      %mul3A_18 = arith.constant 3072 : i32
      %mul3A_19 = arith.muli %add3A_17, %mul3A_18 : i32
      "tpu.region"() ({
        %run_scoped3A = tpu.sem_alloc : memref<!tpu.dma_semaphore, #tpu.memory_space<semaphore_mem>>
        %dma_start3A = tpu.memref_slice %arg2[%mul3A_19] : memref<50331648xf32, #tpu.memory_space<hbm>> -> memref<49152xf32, #tpu.memory_space<hbm>>
        %dma_start3A_74 = tpu.memref_slice %arg2[%mul3A_19] : memref<50331648xf32, #tpu.memory_space<hbm>> -> memref<49152xf32, #tpu.memory_space<hbm>>
        tpu.enqueue_dma source(%dma_start3A_74 : memref<49152xf32, #tpu.memory_space<hbm>>) target(%arg4 : memref<49152xf32, #tpu.memory_space<vmem>>) target_semaphore(%run_scoped3A : memref<!tpu.dma_semaphore, #tpu.memory_space<semaphore_mem>>)
        %dma_wait3A = tpu.memref_slice %arg2[%mul3A_19] : memref<50331648xf32, #tpu.memory_space<hbm>> -> memref<49152xf32, #tpu.memory_space<hbm>>
        %dma_wait3A_75 = tpu.memref_slice %arg2[%mul3A_19] : memref<50331648xf32, #tpu.memory_space<hbm>> -> memref<49152xf32, #tpu.memory_space<hbm>>
        tpu.wait_dma2 semaphore(%run_scoped3A : memref<!tpu.dma_semaphore, #tpu.memory_space<semaphore_mem>>) src(%dma_wait3A_75 : memref<49152xf32, #tpu.memory_space<hbm>>) dst(%arg4 : memref<49152xf32, #tpu.memory_space<vmem>>)
        tpu.yield
      }) : () -> ()
      %broadcast_in_dim3A_20 = arith.constant 0x7F800000 : f32
      %broadcast_in_dim3A_21 = vector.broadcast %broadcast_in_dim3A_20 : f32 to vector<16xf32>
      %scan3A_22 = arith.constant 0 : i32
      %scan3A_23 = arith.constant 32 : i32
      %scan3A_24 = arith.addi %scan3A_22, %scan3A_23 : i32
      %scan3A_25 = arith.constant 1 : i32
      %scan3A_26:2 = scf.for %scan3A_74 = %scan3A_22 to %scan3A_24 step %scan3A_25 iter_args(%scan3A_75 = %broadcast_in_dim3A_21, %scan3A_76 = %broadcast_in_dim3A_6) -> (vector<16xf32>, vector<16xf32>)  : i32 {
        %scan3A_77 = arith.constant 0 : i32
        %scan3A_78 = arith.constant 96 : i32
        %scan3A_79 = arith.addi %scan3A_77, %scan3A_78 : i32
        %scan3A_80 = arith.constant 1 : i32
        %scan3A_81 = scf.for %scan3A_83 = %scan3A_77 to %scan3A_79 step %scan3A_80 iter_args(%scan3A_84 = %broadcast_in_dim3A_6) -> (vector<16xf32>)  : i32 {
          %mul3A_85 = arith.constant 96 : i32
          %mul3A_86 = arith.muli %scan3A_74, %mul3A_85 : i32
          %add3A_87 = arith.addi %mul3A_86, %scan3A_83 : i32
          %add3A_88 = vector.broadcast %add3A_87 : i32 to vector<16xi32>
          %add3A_89 = arith.addi %mul3A_5, %add3A_88 : vector<16xi32>
          %gather3A = tpu.vector_load_idx %arg4[%add3A_89] : memref<49152xf32, #tpu.memory_space<vmem>>[vector<16xi32>], vector<16xf32>,
          %max3A_90 = arith.maximumf %scan3A_84, %gather3A : vector<16xf32>
          scf.yield %max3A_90 : vector<16xf32>
        }
        %scan3A_82 = arith.constant 96 : i32
        %min3A = arith.minimumf %scan3A_75, %scan3A_81 : vector<16xf32>
        %max3A = arith.maximumf %scan3A_76, %scan3A_81 : vector<16xf32>
        scf.yield %min3A, %max3A : vector<16xf32>, vector<16xf32>
      }
      %scan3A_27 = arith.constant 32 : i32
      %scan3A_28 = arith.constant 0 : i32
      %scan3A_29 = arith.constant 0 : i32
      %scan3A_30 = arith.constant 256 : i32
      %scan3A_31 = arith.addi %scan3A_29, %scan3A_30 : i32
      %scan3A_32 = arith.constant 1 : i32
      %scan3A_33 = scf.for %scan3A_74 = %scan3A_29 to %scan3A_31 step %scan3A_32 iter_args(%scan3A_75 = %scan3A_28) -> (i32)  : i32 {
        %mul3A_76 = arith.constant 16 : i32
        %mul3A_77 = arith.muli %scan3A_74, %mul3A_76 : i32
        %swap3A_78 = arith.index_cast %mul3A_77 : i32 to index
        %swap3A_79 = tpu.vector_load %arg5[%swap3A_78] {strides = array<i32>} : memref<4096xf32, #tpu.memory_space<vmem>>, vector<16xf32>,
        tpu.vector_store %arg5[%swap3A_78], %broadcast_in_dim3A_6 {strides = array<i32>} : memref<4096xf32, #tpu.memory_space<vmem>>, vector<16xf32>,
        %scan3A_80 = arith.constant 0 : i32
        scf.yield %scan3A_80 : i32
      }
      %scan3A_34 = arith.constant 256 : i32
      %broadcast_in_dim3A_35 = arith.constant 0 : i32
      %broadcast_in_dim3A_36 = vector.broadcast %broadcast_in_dim3A_35 : i32 to vector<16xi32>
      %scan3A_37 = arith.constant 0 : i32
      %scan3A_38 = arith.constant 3072 : i32
      %scan3A_39 = arith.addi %scan3A_37, %scan3A_38 : i32
      %scan3A_40 = arith.constant 1 : i32
      %scan3A_41 = scf.for %scan3A_74 = %scan3A_37 to %scan3A_39 step %scan3A_40 iter_args(%scan3A_75 = %broadcast_in_dim3A_36) -> (vector<16xi32>)  : i32 {
        %add3A_76 = vector.broadcast %scan3A_74 : i32 to vector<16xi32>
        %add3A_77 = arith.addi %mul3A_5, %add3A_76 : vector<16xi32>
        %gather3A = tpu.vector_load_idx %arg4[%add3A_77] : memref<49152xf32, #tpu.memory_space<vmem>>[vector<16xi32>], vector<16xf32>,
        %ge3A = arith.cmpf oge, %gather3A, %scan3A_26#0 : vector<16xf32>
        %min3A = arith.constant 255 : i32
        %min3A_78 = vector.broadcast %min3A : i32 to vector<16xi32>
        %min3A_79 = arith.minsi %scan3A_75, %min3A_78 : vector<16xi32>
        %mul3A_80 = arith.constant 16 : i32
        %mul3A_81 = vector.broadcast %mul3A_80 : i32 to vector<16xi32>
        %mul3A_82 = arith.muli %min3A_79, %mul3A_81 : vector<16xi32>
        %add3A_83 = arith.addi %mul3A_82, %iota3A : vector<16xi32>
        tpu.vector_store_idx %arg5[%add3A_83], %gather3A masked %ge3A : memref<4096xf32, #tpu.memory_space<vmem>>[vector<16xi32>], vector<16xf32>, vector<16xi1>
        %jit3A = arith.constant 1 : i32
        %jit3A_84 = arith.constant 0 : i32
        %broadcast_in_dim3A_85 = vector.broadcast %jit3A : i32 to vector<16xi32>
        %broadcast_in_dim3A_86 = vector.broadcast %jit3A_84 : i32 to vector<16xi32>
        %select_n3A = arith.select %ge3A, %broadcast_in_dim3A_85, %broadcast_in_dim3A_86 : vector<16xi1>, vector<16xi32>
        %add3A_87 = arith.addi %scan3A_75, %select_n3A : vector<16xi32>
        scf.yield %add3A_87 : vector<16xi32>
      }
      %scan3A_42 = arith.constant 3072 : i32
      %reduce_max3A = arith.constant true
      %reduce_max3A_43 = vector.broadcast %reduce_max3A : i1 to vector<16xi1>
      %reduce_max3A_44 = arith.constant -2147483648 : i32
      %reduce_max3A_45 = vector.broadcast %reduce_max3A_44 : i32 to vector<16xi32>
      %reduce_max3A_46 = arith.xori %scan3A_41, %reduce_max3A_45 : vector<16xi32>
      %reduce_max3A_47 = tpu.scan <max>, %reduce_max3A_46 masked %reduce_max3A_43 : vector<16xi32>, vector<16xi1> -> vector<16xi32>
      %reduce_max3A_48 = arith.xori %reduce_max3A_47, %reduce_max3A_45 : vector<16xi32>
      %reduce_max3A_49 = vector.extract %reduce_max3A_48[15] : i32 from vector<16xi32>
      %bitcast_convert_type3A = tpu.bitcast %scan3A_26#0 : vector<16xf32> -> vector<16xi32>
      %shift_right_arithmetic3A = arith.constant 31 : i32
      %shift_right_arithmetic3A_50 = vector.broadcast %shift_right_arithmetic3A : i32 to vector<16xi32>
      %shift_right_arithmetic3A_51 = arith.shrsi %bitcast_convert_type3A, %shift_right_arithmetic3A_50 : vector<16xi32>
      %or3A = arith.constant -2147483648 : i32
      %or3A_52 = vector.broadcast %or3A : i32 to vector<16xi32>
      %or3A_53 = arith.ori %shift_right_arithmetic3A_51, %or3A_52 : vector<16xi32>
      %xor3A = arith.xori %bitcast_convert_type3A, %or3A_53 : vector<16xi32>
      %bitcast_convert_type3A_54 = tpu.bitcast %xor3A : vector<16xi32> -> vector<16xi32>
      %bitcast_convert_type3A_55 = tpu.bitcast %scan3A_26#1 : vector<16xf32> -> vector<16xi32>
      %shift_right_arithmetic3A_56 = arith.constant 31 : i32
      %shift_right_arithmetic3A_57 = vector.broadcast %shift_right_arithmetic3A_56 : i32 to vector<16xi32>
      %shift_right_arithmetic3A_58 = arith.shrsi %bitcast_convert_type3A_55, %shift_right_arithmetic3A_57 : vector<16xi32>
      %or3A_59 = arith.constant -2147483648 : i32
      %or3A_60 = vector.broadcast %or3A_59 : i32 to vector<16xi32>
      %or3A_61 = arith.ori %shift_right_arithmetic3A_58, %or3A_60 : vector<16xi32>
      %xor3A_62 = arith.xori %bitcast_convert_type3A_55, %or3A_61 : vector<16xi32>
      %bitcast_convert_type3A_63 = tpu.bitcast %xor3A_62 : vector<16xi32> -> vector<16xi32>
      %add3A_64 = arith.constant 1 : i32
      %add3A_65 = vector.broadcast %add3A_64 : i32 to vector<16xi32>
      %add3A_66 = arith.addi %bitcast_convert_type3A_63, %add3A_65 : vector<16xi32>
      %gt3A = arith.constant 256 : i32
      %gt3A_67 = arith.cmpi sgt, %reduce_max3A_49, %gt3A : i32
      %convert_element_type3A = arith.extui %gt3A_67 : i1 to i32
      %cond3A = arith.constant 0 : i32
      %cond3A_68 = arith.cmpi ne, %convert_element_type3A, %cond3A : i32
      %cond3A_69 = scf.if %cond3A_68 -> (vector<16xf32>) {
        %broadcast_in_dim3A_74 = arith.constant 0.000000e+00 : f32
        %broadcast_in_dim3A_75 = vector.broadcast %broadcast_in_dim3A_74 : f32 to vector<16xf32>
        %broadcast_in_dim3A_76 = arith.constant false
        %broadcast_in_dim3A_77 = vector.broadcast %broadcast_in_dim3A_76 : i1 to vector<16xi1>
        %while3A = arith.constant 0 : i32
        %while3A_78:5 = scf.while (%while3A_88 = %while3A, %while3A_89 = %bitcast_convert_type3A_54, %while3A_90 = %add3A_66, %while3A_91 = %broadcast_in_dim3A_75, %while3A_92 = %broadcast_in_dim3A_77) : (i32, vector<16xi32>, vector<16xi32>, vector<16xf32>, vector<16xi1>) -> (i32, vector<16xi32>, vector<16xi32>, vector<16xf32>, vector<16xi1>) {
          %all_reduce_population_count3A = tpu.all_reduce %while3A_92 {dim = 0 : i64, kind = #tpu.reduction_kind<sum>} : vector<16xi1> -> vector<16xi32>
          %reduce_max3A_93 = arith.constant true
          %reduce_max3A_94 = vector.broadcast %reduce_max3A_93 : i1 to vector<16xi1>
          %reduce_max3A_95 = arith.constant -2147483648 : i32
          %reduce_max3A_96 = vector.broadcast %reduce_max3A_95 : i32 to vector<16xi32>
          %reduce_max3A_97 = arith.xori %all_reduce_population_count3A, %reduce_max3A_96 : vector<16xi32>
          %reduce_max3A_98 = tpu.scan <max>, %reduce_max3A_97 masked %reduce_max3A_94 : vector<16xi32>, vector<16xi1> -> vector<16xi32>
          %reduce_max3A_99 = arith.xori %reduce_max3A_98, %reduce_max3A_96 : vector<16xi32>
          %reduce_max3A_100 = vector.extract %reduce_max3A_99[15] : i32 from vector<16xi32>
          %lt3A = arith.constant 33 : i32
          %lt3A_101 = arith.cmpi slt, %while3A_88, %lt3A : i32
          %lt3A_102 = arith.constant 16 : i32
          %lt3A_103 = arith.cmpi slt, %reduce_max3A_100, %lt3A_102 : i32
          %and3A = arith.andi %lt3A_101, %lt3A_103 : i1
          scf.condition(%and3A) %while3A_88, %while3A_89, %while3A_90, %while3A_91, %while3A_92 : i32, vector<16xi32>, vector<16xi32>, vector<16xf32>, vector<16xi1>
        } do {
        ^bb0(%while3A_88: i32, %while3A_89: vector<16xi32>, %while3A_90: vector<16xi32>, %while3A_91: vector<16xf32>, %while3A_92: vector<16xi1>):
          %sub3A = arith.subi %while3A_90, %while3A_89 : vector<16xi32>
          %shift_right_logical3A = arith.constant 1 : i32
          %shift_right_logical3A_93 = vector.broadcast %shift_right_logical3A : i32 to vector<16xi32>
          %shift_right_logical3A_94 = arith.shrui %sub3A, %shift_right_logical3A_93 : vector<16xi32>
          %add3A_95 = arith.addi %while3A_89, %shift_right_logical3A_94 : vector<16xi32>
          %bitcast_convert_type3A_96 = tpu.bitcast %add3A_95 : vector<16xi32> -> vector<16xi32>
          %ge3A_97 = arith.constant 0 : i32
          %ge3A_98 = vector.broadcast %ge3A_97 : i32 to vector<16xi32>
          %ge3A_99 = arith.cmpi sge, %bitcast_convert_type3A_96, %ge3A_98 : vector<16xi32>
          %not3A_100 = arith.constant dense<-1> : vector<16xi32>
          %not3A_101 = arith.xori %bitcast_convert_type3A_96, %not3A_100 : vector<16xi32>
          %xor3A_102 = arith.constant -2147483648 : i32
          %xor3A_103 = vector.broadcast %xor3A_102 : i32 to vector<16xi32>
          %xor3A_104 = arith.xori %bitcast_convert_type3A_96, %xor3A_103 : vector<16xi32>
          %select_n3A_105 = arith.select %ge3A_99, %not3A_101, %xor3A_104 : vector<16xi1>, vector<16xi32>
          %bitcast_convert_type3A_106 = tpu.bitcast %select_n3A_105 : vector<16xi32> -> vector<16xf32>
          %broadcast_in_dim3A_107 = arith.constant 0 : i32
          %broadcast_in_dim3A_108 = vector.broadcast %broadcast_in_dim3A_107 : i32 to vector<16xi32>
          %scan3A_109 = arith.constant 0 : i32
          %scan3A_110 = arith.constant 3072 : i32
          %scan3A_111 = arith.addi %scan3A_109, %scan3A_110 : i32
          %scan3A_112 = arith.constant 1 : i32
          %scan3A_113 = scf.for %scan3A_132 = %scan3A_109 to %scan3A_111 step %scan3A_112 iter_args(%scan3A_133 = %broadcast_in_dim3A_108) -> (vector<16xi32>)  : i32 {
            %add3A_134 = vector.broadcast %scan3A_132 : i32 to vector<16xi32>
            %add3A_135 = arith.addi %mul3A_5, %add3A_134 : vector<16xi32>
            %gather3A = tpu.vector_load_idx %arg4[%add3A_135] : memref<49152xf32, #tpu.memory_space<vmem>>[vector<16xi32>], vector<16xf32>,
            %ge3A_136 = arith.cmpf oge, %gather3A, %bitcast_convert_type3A_106 : vector<16xf32>
            %jit3A = arith.constant 1 : i32
            %jit3A_137 = arith.constant 0 : i32
            %broadcast_in_dim3A_138 = vector.broadcast %jit3A : i32 to vector<16xi32>
            %broadcast_in_dim3A_139 = vector.broadcast %jit3A_137 : i32 to vector<16xi32>
            %select_n3A_140 = arith.select %ge3A_136, %broadcast_in_dim3A_138, %broadcast_in_dim3A_139 : vector<16xi1>, vector<16xi32>
            %add3A_141 = arith.addi %scan3A_133, %select_n3A_140 : vector<16xi32>
            scf.yield %add3A_141 : vector<16xi32>
          }
          %scan3A_114 = arith.constant 3072 : i32
          %ge3A_115 = arith.constant 32 : i32
          %ge3A_116 = vector.broadcast %ge3A_115 : i32 to vector<16xi32>
          %ge3A_117 = arith.cmpi sge, %scan3A_113, %ge3A_116 : vector<16xi32>
          %eq3A = arith.constant 32 : i32
          %eq3A_118 = vector.broadcast %eq3A : i32 to vector<16xi32>
          %eq3A_119 = arith.cmpi eq, %scan3A_113, %eq3A_118 : vector<16xi32>
          %not3A_120 = arith.constant dense<true> : vector<16xi1>
          %not3A_121 = arith.xori %while3A_92, %not3A_120 : vector<16xi1>
          %and3A = arith.andi %not3A_121, %eq3A_119 : vector<16xi1>
          %select_n3A_122 = arith.select %and3A, %bitcast_convert_type3A_106, %while3A_91 : vector<16xi1>, vector<16xf32>
          %or3A_123 = arith.ori %while3A_92, %eq3A_119 : vector<16xi1>
          %and3A_124 = arith.andi %not3A_121, %ge3A_117 : vector<16xi1>
          %select_n3A_125 = arith.select %and3A_124, %add3A_95, %while3A_89 : vector<16xi1>, vector<16xi32>
          %not3A_126 = arith.constant dense<true> : vector<16xi1>
          %not3A_127 = arith.xori %ge3A_117, %not3A_126 : vector<16xi1>
          %and3A_128 = arith.andi %not3A_121, %not3A_127 : vector<16xi1>
          %select_n3A_129 = arith.select %and3A_128, %add3A_95, %while3A_90 : vector<16xi1>, vector<16xi32>
          %add3A_130 = arith.constant 1 : i32
          %add3A_131 = arith.addi %while3A_88, %add3A_130 : i32
          scf.yield %add3A_131, %select_n3A_125, %select_n3A_129, %select_n3A_122, %or3A_123 : i32, vector<16xi32>, vector<16xi32>, vector<16xf32>, vector<16xi1>
        }
        %bitcast_convert_type3A_79 = tpu.bitcast %while3A_78#1 : vector<16xi32> -> vector<16xi32>
        %ge3A = arith.constant 0 : i32
        %ge3A_80 = vector.broadcast %ge3A : i32 to vector<16xi32>
        %ge3A_81 = arith.cmpi sge, %bitcast_convert_type3A_79, %ge3A_80 : vector<16xi32>
        %not3A = arith.constant dense<-1> : vector<16xi32>
        %not3A_82 = arith.xori %bitcast_convert_type3A_79, %not3A : vector<16xi32>
        %xor3A_83 = arith.constant -2147483648 : i32
        %xor3A_84 = vector.broadcast %xor3A_83 : i32 to vector<16xi32>
        %xor3A_85 = arith.xori %bitcast_convert_type3A_79, %xor3A_84 : vector<16xi32>
        %select_n3A = arith.select %ge3A_81, %not3A_82, %xor3A_85 : vector<16xi1>, vector<16xi32>
        %bitcast_convert_type3A_86 = tpu.bitcast %select_n3A : vector<16xi32> -> vector<16xf32>
        %select_n3A_87 = arith.select %while3A_78#4, %while3A_78#3, %bitcast_convert_type3A_86 : vector<16xi1>, vector<16xf32>
        scf.yield %select_n3A_87 : vector<16xf32>
      } else {
        %broadcast_in_dim3A_74 = arith.constant 0.000000e+00 : f32
        %broadcast_in_dim3A_75 = vector.broadcast %broadcast_in_dim3A_74 : f32 to vector<16xf32>
        %broadcast_in_dim3A_76 = arith.constant false
        %broadcast_in_dim3A_77 = vector.broadcast %broadcast_in_dim3A_76 : i1 to vector<16xi1>
        %while3A = arith.constant 0 : i32
        %while3A_78:5 = scf.while (%while3A_88 = %while3A, %while3A_89 = %bitcast_convert_type3A_54, %while3A_90 = %add3A_66, %while3A_91 = %broadcast_in_dim3A_75, %while3A_92 = %broadcast_in_dim3A_77) : (i32, vector<16xi32>, vector<16xi32>, vector<16xf32>, vector<16xi1>) -> (i32, vector<16xi32>, vector<16xi32>, vector<16xf32>, vector<16xi1>) {
          %all_reduce_population_count3A = tpu.all_reduce %while3A_92 {dim = 0 : i64, kind = #tpu.reduction_kind<sum>} : vector<16xi1> -> vector<16xi32>
          %reduce_max3A_93 = arith.constant true
          %reduce_max3A_94 = vector.broadcast %reduce_max3A_93 : i1 to vector<16xi1>
          %reduce_max3A_95 = arith.constant -2147483648 : i32
          %reduce_max3A_96 = vector.broadcast %reduce_max3A_95 : i32 to vector<16xi32>
          %reduce_max3A_97 = arith.xori %all_reduce_population_count3A, %reduce_max3A_96 : vector<16xi32>
          %reduce_max3A_98 = tpu.scan <max>, %reduce_max3A_97 masked %reduce_max3A_94 : vector<16xi32>, vector<16xi1> -> vector<16xi32>
          %reduce_max3A_99 = arith.xori %reduce_max3A_98, %reduce_max3A_96 : vector<16xi32>
          %reduce_max3A_100 = vector.extract %reduce_max3A_99[15] : i32 from vector<16xi32>
          %lt3A = arith.constant 33 : i32
          %lt3A_101 = arith.cmpi slt, %while3A_88, %lt3A : i32
          %lt3A_102 = arith.constant 16 : i32
          %lt3A_103 = arith.cmpi slt, %reduce_max3A_100, %lt3A_102 : i32
          %and3A = arith.andi %lt3A_101, %lt3A_103 : i1
          scf.condition(%and3A) %while3A_88, %while3A_89, %while3A_90, %while3A_91, %while3A_92 : i32, vector<16xi32>, vector<16xi32>, vector<16xf32>, vector<16xi1>
        } do {
        ^bb0(%while3A_88: i32, %while3A_89: vector<16xi32>, %while3A_90: vector<16xi32>, %while3A_91: vector<16xf32>, %while3A_92: vector<16xi1>):
          %sub3A = arith.subi %while3A_90, %while3A_89 : vector<16xi32>
          %shift_right_logical3A = arith.constant 1 : i32
          %shift_right_logical3A_93 = vector.broadcast %shift_right_logical3A : i32 to vector<16xi32>
          %shift_right_logical3A_94 = arith.shrui %sub3A, %shift_right_logical3A_93 : vector<16xi32>
          %add3A_95 = arith.addi %while3A_89, %shift_right_logical3A_94 : vector<16xi32>
          %bitcast_convert_type3A_96 = tpu.bitcast %add3A_95 : vector<16xi32> -> vector<16xi32>
          %ge3A_97 = arith.constant 0 : i32
          %ge3A_98 = vector.broadcast %ge3A_97 : i32 to vector<16xi32>
          %ge3A_99 = arith.cmpi sge, %bitcast_convert_type3A_96, %ge3A_98 : vector<16xi32>
          %not3A_100 = arith.constant dense<-1> : vector<16xi32>
          %not3A_101 = arith.xori %bitcast_convert_type3A_96, %not3A_100 : vector<16xi32>
          %xor3A_102 = arith.constant -2147483648 : i32
          %xor3A_103 = vector.broadcast %xor3A_102 : i32 to vector<16xi32>
          %xor3A_104 = arith.xori %bitcast_convert_type3A_96, %xor3A_103 : vector<16xi32>
          %select_n3A_105 = arith.select %ge3A_99, %not3A_101, %xor3A_104 : vector<16xi1>, vector<16xi32>
          %bitcast_convert_type3A_106 = tpu.bitcast %select_n3A_105 : vector<16xi32> -> vector<16xf32>
          %min3A = arith.constant 256 : i32
          %min3A_107 = arith.minsi %reduce_max3A_49, %min3A : i32
          %broadcast_in_dim3A_108 = arith.constant 0 : i32
          %broadcast_in_dim3A_109 = vector.broadcast %broadcast_in_dim3A_108 : i32 to vector<16xi32>
          %while3A_110 = arith.constant 0 : i32
          %while3A_111 = arith.subi %min3A_107, %while3A_110 : i32
          %while3A_112 = arith.addi %while3A_110, %while3A_111 : i32
          %while3A_113 = arith.constant 1 : i32
          %while3A_114 = arith.divsi %while3A_111, %while3A_113 : i32
          %while3A_115 = arith.muli %while3A_114, %while3A_113 : i32
          %while3A_116 = arith.addi %while3A_110, %while3A_115 : i32
          %while3A_117 = arith.constant 1 : i32
          %while3A_118 = scf.for %while3A_138 = %while3A_110 to %while3A_116 step %while3A_117 iter_args(%while3A_139 = %broadcast_in_dim3A_109) -> (vector<16xi32>)  : i32 {
            %mul3A_140 = arith.constant 16 : i32
            %mul3A_141 = arith.muli %while3A_138, %mul3A_140 : i32
            %get3A = arith.index_cast %mul3A_141 : i32 to index
            %get3A_142 = tpu.vector_load %arg5[%get3A] {strides = array<i32>} : memref<4096xf32, #tpu.memory_space<vmem>>, vector<16xf32>,
            %ge3A_143 = arith.cmpf oge, %get3A_142, %bitcast_convert_type3A_106 : vector<16xf32>
            %jit3A = arith.constant 1 : i32
            %jit3A_144 = arith.constant 0 : i32
            %broadcast_in_dim3A_145 = vector.broadcast %jit3A : i32 to vector<16xi32>
            %broadcast_in_dim3A_146 = vector.broadcast %jit3A_144 : i32 to vector<16xi32>
            %select_n3A_147 = arith.select %ge3A_143, %broadcast_in_dim3A_145, %broadcast_in_dim3A_146 : vector<16xi1>, vector<16xi32>
            %add3A_148 = arith.addi %while3A_139, %select_n3A_147 : vector<16xi32>
            scf.yield %add3A_148 : vector<16xi32>
          }
          %while3A_119 = arith.constant 1 : i32
          %while3A_120 = scf.for %while3A_138 = %while3A_116 to %while3A_112 step %while3A_119 iter_args(%while3A_139 = %while3A_118) -> (vector<16xi32>)  : i32 {
            %mul3A_140 = arith.constant 16 : i32
            %mul3A_141 = arith.muli %while3A_138, %mul3A_140 : i32
            %get3A = arith.index_cast %mul3A_141 : i32 to index
            %get3A_142 = tpu.vector_load %arg5[%get3A] {strides = array<i32>} : memref<4096xf32, #tpu.memory_space<vmem>>, vector<16xf32>,
            %ge3A_143 = arith.cmpf oge, %get3A_142, %bitcast_convert_type3A_106 : vector<16xf32>
            %jit3A = arith.constant 1 : i32
            %jit3A_144 = arith.constant 0 : i32
            %broadcast_in_dim3A_145 = vector.broadcast %jit3A : i32 to vector<16xi32>
            %broadcast_in_dim3A_146 = vector.broadcast %jit3A_144 : i32 to vector<16xi32>
            %select_n3A_147 = arith.select %ge3A_143, %broadcast_in_dim3A_145, %broadcast_in_dim3A_146 : vector<16xi1>, vector<16xi32>
            %add3A_148 = arith.addi %while3A_139, %select_n3A_147 : vector<16xi32>
            scf.yield %add3A_148 : vector<16xi32>
          }
          %ge3A_121 = arith.constant 32 : i32
          %ge3A_122 = vector.broadcast %ge3A_121 : i32 to vector<16xi32>
          %ge3A_123 = arith.cmpi sge, %while3A_120, %ge3A_122 : vector<16xi32>
          %eq3A = arith.constant 32 : i32
          %eq3A_124 = vector.broadcast %eq3A : i32 to vector<16xi32>
          %eq3A_125 = arith.cmpi eq, %while3A_120, %eq3A_124 : vector<16xi32>
          %not3A_126 = arith.constant dense<true> : vector<16xi1>
          %not3A_127 = arith.xori %while3A_92, %not3A_126 : vector<16xi1>
          %and3A = arith.andi %not3A_127, %eq3A_125 : vector<16xi1>
          %select_n3A_128 = arith.select %and3A, %bitcast_convert_type3A_106, %while3A_91 : vector<16xi1>, vector<16xf32>
          %or3A_129 = arith.ori %while3A_92, %eq3A_125 : vector<16xi1>
          %and3A_130 = arith.andi %not3A_127, %ge3A_123 : vector<16xi1>
          %select_n3A_131 = arith.select %and3A_130, %add3A_95, %while3A_89 : vector<16xi1>, vector<16xi32>
          %not3A_132 = arith.constant dense<true> : vector<16xi1>
          %not3A_133 = arith.xori %ge3A_123, %not3A_132 : vector<16xi1>
          %and3A_134 = arith.andi %not3A_127, %not3A_133 : vector<16xi1>
          %select_n3A_135 = arith.select %and3A_134, %add3A_95, %while3A_90 : vector<16xi1>, vector<16xi32>
          %add3A_136 = arith.constant 1 : i32
          %add3A_137 = arith.addi %while3A_88, %add3A_136 : i32
          scf.yield %add3A_137, %select_n3A_131, %select_n3A_135, %select_n3A_128, %or3A_129 : i32, vector<16xi32>, vector<16xi32>, vector<16xf32>, vector<16xi1>
        }
        %bitcast_convert_type3A_79 = tpu.bitcast %while3A_78#1 : vector<16xi32> -> vector<16xi32>
        %ge3A = arith.constant 0 : i32
        %ge3A_80 = vector.broadcast %ge3A : i32 to vector<16xi32>
        %ge3A_81 = arith.cmpi sge, %bitcast_convert_type3A_79, %ge3A_80 : vector<16xi32>
        %not3A = arith.constant dense<-1> : vector<16xi32>
        %not3A_82 = arith.xori %bitcast_convert_type3A_79, %not3A : vector<16xi32>
        %xor3A_83 = arith.constant -2147483648 : i32
        %xor3A_84 = vector.broadcast %xor3A_83 : i32 to vector<16xi32>
        %xor3A_85 = arith.xori %bitcast_convert_type3A_79, %xor3A_84 : vector<16xi32>
        %select_n3A = arith.select %ge3A_81, %not3A_82, %xor3A_85 : vector<16xi1>, vector<16xi32>
        %bitcast_convert_type3A_86 = tpu.bitcast %select_n3A : vector<16xi32> -> vector<16xf32>
        %select_n3A_87 = arith.select %while3A_78#4, %while3A_78#3, %bitcast_convert_type3A_86 : vector<16xi1>, vector<16xf32>
        scf.yield %select_n3A_87 : vector<16xf32>
      }
      %mul3A_70 = arith.constant 16 : i32
      %mul3A_71 = arith.muli %scan3A_13, %mul3A_70 : i32
      %swap3A = arith.index_cast %mul3A_71 : i32 to index
      %swap3A_72 = tpu.vector_load %arg6[%swap3A] {strides = array<i32>} : memref<512xf32, #tpu.memory_space<vmem>>, vector<16xf32>,
      tpu.vector_store %arg6[%swap3A], %cond3A_69 {strides = array<i32>} : memref<512xf32, #tpu.memory_space<vmem>>, vector<16xf32>,
      %scan3A_73 = arith.constant 0 : i32
      scf.yield %scan3A_73 : i32
    }
    %scan3A_12 = arith.constant 32 : i32
    "tpu.region"() ({
      %run_scoped3A = tpu.sem_alloc : memref<!tpu.dma_semaphore, #tpu.memory_space<semaphore_mem>>
      %dma_start3A = tpu.memref_slice %arg3[%mul3A_2] : memref<16384xf32, #tpu.memory_space<hbm>> -> memref<512xf32, #tpu.memory_space<hbm>>
      %dma_start3A_13 = tpu.memref_slice %arg3[%mul3A_2] : memref<16384xf32, #tpu.memory_space<hbm>> -> memref<512xf32, #tpu.memory_space<hbm>>
      tpu.enqueue_dma source(%arg6 : memref<512xf32, #tpu.memory_space<vmem>>) target(%dma_start3A_13 : memref<512xf32, #tpu.memory_space<hbm>>) target_semaphore(%run_scoped3A : memref<!tpu.dma_semaphore, #tpu.memory_space<semaphore_mem>>)
      %dma_wait3A = tpu.memref_slice %arg3[%mul3A_2] : memref<16384xf32, #tpu.memory_space<hbm>> -> memref<512xf32, #tpu.memory_space<hbm>>
      %dma_wait3A_14 = tpu.memref_slice %arg3[%mul3A_2] : memref<16384xf32, #tpu.memory_space<hbm>> -> memref<512xf32, #tpu.memory_space<hbm>>
      tpu.wait_dma2 semaphore(%run_scoped3A : memref<!tpu.dma_semaphore, #tpu.memory_space<semaphore_mem>>) src(%arg6 : memref<512xf32, #tpu.memory_space<vmem>>) dst(%dma_wait3A_14 : memref<512xf32, #tpu.memory_space<hbm>>)
      tpu.yield
    }) : () -> ()
    return
  }
}

module attributes {stable_mosaic.version = 14 : i64} {
  func.func @_dec_block(%arg0: i32, %arg1: memref<256x3072xf32, #tpu.memory_space<vmem>>, %arg2: memref<256x1xf32, #tpu.memory_space<vmem>>, %arg3: memref<1x768xf32, #tpu.memory_space<vmem>>, %arg4: memref<768x3072xf32, #tpu.memory_space<vmem>>, %arg5: memref<1x768xf32, #tpu.memory_space<vmem>>, %arg6: memref<256x768xf32, #tpu.memory_space<vmem>>, %arg7: memref<256x3072xf32, #tpu.memory_space<vmem>>) attributes {dimension_semantics = [#tpu.dimension_semantics<arbitrary>], iteration_bounds = array<i64: 64>, scalar_prefetch = 0 : i64, scratch_operands = 0 : i64, tpu.core_type = #tpu.core_type<tc>, window_params = [{transform_indices = @transform_0, window_bounds = array<i64: 256, 3072>}, {transform_indices = @transform_1, window_bounds = array<i64: 256, 1>}, {pipeline_mode = #tpu.pipeline_mode<synchronous>, transform_indices = @transform_2, window_bounds = array<i64: 1, 768>}, {pipeline_mode = #tpu.pipeline_mode<synchronous>, transform_indices = @transform_3, window_bounds = array<i64: 768, 3072>}, {pipeline_mode = #tpu.pipeline_mode<synchronous>, transform_indices = @transform_4, window_bounds = array<i64: 1, 768>}, {transform_indices = @transform_5, window_bounds = array<i64: 256, 768>}, {transform_indices = @transform_6, window_bounds = array<i64: 256, 3072>}]} {
    %get3A = arith.constant 0 : index
    %get3A_0 = arith.constant 0 : index
    %get3A_1 = vector.load %arg1[%get3A, %get3A_0] : memref<256x3072xf32, #tpu.memory_space<vmem>>, vector<256x3072xf32>
    %get3A_2 = arith.constant 0 : index
    %get3A_3 = arith.constant 0 : index
    %get3A_4 = vector.load %arg2[%get3A_2, %get3A_3] : memref<256x1xf32, #tpu.memory_space<vmem>>, vector<256x1xf32>
    %ge3A = vector.broadcast %get3A_4 : vector<256x1xf32> to vector<256x3072xf32>
    %ge3A_5 = arith.cmpf oge, %get3A_1, %ge3A : vector<256x3072xf32>
    %jit3A = arith.constant 0.000000e+00 : f32
    %broadcast_in_dim3A = vector.broadcast %jit3A : f32 to vector<256x3072xf32>
    %select_n3A = arith.select %ge3A_5, %get3A_1, %broadcast_in_dim3A : vector<256x3072xi1>, vector<256x3072xf32>
    %swap3A = arith.constant 0 : index
    %swap3A_6 = arith.constant 0 : index
    %swap3A_7 = vector.load %arg7[%swap3A, %swap3A_6] : memref<256x3072xf32, #tpu.memory_space<vmem>>, vector<256x3072xf32>
    tpu.vector_store %arg7[%swap3A, %swap3A_6], %select_n3A {strides = array<i32>} : memref<256x3072xf32, #tpu.memory_space<vmem>>, vector<256x3072xf32>,
    %get3A_8 = arith.constant 0 : index
    %get3A_9 = arith.constant 0 : index
    %get3A_10 = vector.load %arg4[%get3A_8, %get3A_9] : memref<768x3072xf32, #tpu.memory_space<vmem>>, vector<768x3072xf32>
    %dot_general3A = arith.constant dense<0.000000e+00> : vector<256x768xf32>
    %dot_general3A_11 = tpu.matmul %select_n3A, %get3A_10, %dot_general3A {dimension_numbers = #tpu.dot_dimension_numbers<[1], [1], [0], [0], [0, 0, 1, 0], [], []>, transpose_lhs_hint = false} : vector<256x3072xf32>, vector<768x3072xf32>, vector<256x768xf32> -> vector<256x768xf32>
    %get3A_12 = arith.constant 0 : index
    %get3A_13 = arith.constant 0 : index
    %get3A_14 = vector.load %arg5[%get3A_12, %get3A_13] : memref<1x768xf32, #tpu.memory_space<vmem>>, vector<1x768xf32>
    %add3A = vector.broadcast %get3A_14 : vector<1x768xf32> to vector<256x768xf32>
    %add3A_15 = arith.addf %dot_general3A_11, %add3A : vector<256x768xf32>
    %get3A_16 = arith.constant 0 : index
    %get3A_17 = arith.constant 0 : index
    %get3A_18 = vector.load %arg3[%get3A_16, %get3A_17] : memref<1x768xf32, #tpu.memory_space<vmem>>, vector<1x768xf32>
    %add3A_19 = vector.broadcast %get3A_18 : vector<1x768xf32> to vector<256x768xf32>
    %add3A_20 = arith.addf %add3A_15, %add3A_19 : vector<256x768xf32>
    %swap3A_21 = arith.constant 0 : index
    %swap3A_22 = arith.constant 0 : index
    %swap3A_23 = vector.load %arg6[%swap3A_21, %swap3A_22] : memref<256x768xf32, #tpu.memory_space<vmem>>, vector<256x768xf32>
    tpu.vector_store %arg6[%swap3A_21, %swap3A_22], %add3A_20 {strides = array<i32>} : memref<256x768xf32, #tpu.memory_space<vmem>>, vector<256x768xf32>,
    return
  }
  func.func @transform_0(%arg0: i32) -> (i32, i32) {
    %c0_i32 = arith.constant 0 : i32
    %c0_i32_0 = arith.constant 0 : i32
    return %arg0, %c0_i32 : i32, i32
  }
  func.func @transform_1(%arg0: i32) -> (i32, i32) {
    %c0_i32 = arith.constant 0 : i32
    %c0_i32_0 = arith.constant 0 : i32
    return %arg0, %c0_i32 : i32, i32
  }
  func.func @transform_2(%arg0: i32) -> (i32, i32) {
    %c0_i32 = arith.constant 0 : i32
    %c0_i32_0 = arith.constant 0 : i32
    %c0_i32_1 = arith.constant 0 : i32
    return %c0_i32, %c0_i32_0 : i32, i32
  }
  func.func @transform_3(%arg0: i32) -> (i32, i32) {
    %c0_i32 = arith.constant 0 : i32
    %c0_i32_0 = arith.constant 0 : i32
    %c0_i32_1 = arith.constant 0 : i32
    return %c0_i32, %c0_i32_0 : i32, i32
  }
  func.func @transform_4(%arg0: i32) -> (i32, i32) {
    %c0_i32 = arith.constant 0 : i32
    %c0_i32_0 = arith.constant 0 : i32
    %c0_i32_1 = arith.constant 0 : i32
    return %c0_i32, %c0_i32_0 : i32, i32
  }
  func.func @transform_5(%arg0: i32) -> (i32, i32) {
    %c0_i32 = arith.constant 0 : i32
    %c0_i32_0 = arith.constant 0 : i32
    return %arg0, %c0_i32 : i32, i32
  }
  func.func @transform_6(%arg0: i32) -> (i32, i32) {
    %c0_i32 = arith.constant 0 : i32
    %c0_i32_0 = arith.constant 0 : i32
    return %arg0, %c0_i32 : i32, i32
  }
}

module attributes {stable_mosaic.version = 14 : i64} {
  func.func @_enc_block(%arg0: i32, %arg1: memref<256x768xf32, #tpu.memory_space<vmem>>, %arg2: memref<1x768xf32, #tpu.memory_space<vmem>>, %arg3: memref<3072x768xf32, #tpu.memory_space<vmem>>, %arg4: memref<1x3072xf32, #tpu.memory_space<vmem>>, %arg5: memref<256x3072xf32, #tpu.memory_space<vmem>>) attributes {dimension_semantics = [#tpu.dimension_semantics<arbitrary>], iteration_bounds = array<i64: 64>, scalar_prefetch = 0 : i64, scratch_operands = 0 : i64, tpu.core_type = #tpu.core_type<tc>, window_params = [{transform_indices = @transform_0, window_bounds = array<i64: 256, 768>}, {pipeline_mode = #tpu.pipeline_mode<synchronous>, transform_indices = @transform_1, window_bounds = array<i64: 1, 768>}, {pipeline_mode = #tpu.pipeline_mode<synchronous>, transform_indices = @transform_2, window_bounds = array<i64: 3072, 768>}, {pipeline_mode = #tpu.pipeline_mode<synchronous>, transform_indices = @transform_3, window_bounds = array<i64: 1, 3072>}, {transform_indices = @transform_4, window_bounds = array<i64: 256, 3072>}]} {
    %get3A = arith.constant 0 : index
    %get3A_0 = arith.constant 0 : index
    %get3A_1 = vector.load %arg1[%get3A, %get3A_0] : memref<256x768xf32, #tpu.memory_space<vmem>>, vector<256x768xf32>
    %get3A_2 = arith.constant 0 : index
    %get3A_3 = arith.constant 0 : index
    %get3A_4 = vector.load %arg2[%get3A_2, %get3A_3] : memref<1x768xf32, #tpu.memory_space<vmem>>, vector<1x768xf32>
    %sub3A = vector.broadcast %get3A_4 : vector<1x768xf32> to vector<256x768xf32>
    %sub3A_5 = arith.subf %get3A_1, %sub3A : vector<256x768xf32>
    %get3A_6 = arith.constant 0 : index
    %get3A_7 = arith.constant 0 : index
    %get3A_8 = vector.load %arg3[%get3A_6, %get3A_7] : memref<3072x768xf32, #tpu.memory_space<vmem>>, vector<3072x768xf32>
    %dot_general3A = arith.constant dense<0.000000e+00> : vector<256x3072xf32>
    %dot_general3A_9 = tpu.matmul %sub3A_5, %get3A_8, %dot_general3A {dimension_numbers = #tpu.dot_dimension_numbers<[1], [1], [0], [0], [0, 0, 1, 0], [], []>, transpose_lhs_hint = false} : vector<256x768xf32>, vector<3072x768xf32>, vector<256x3072xf32> -> vector<256x3072xf32>
    %get3A_10 = arith.constant 0 : index
    %get3A_11 = arith.constant 0 : index
    %get3A_12 = vector.load %arg4[%get3A_10, %get3A_11] : memref<1x3072xf32, #tpu.memory_space<vmem>>, vector<1x3072xf32>
    %add3A = vector.broadcast %get3A_12 : vector<1x3072xf32> to vector<256x3072xf32>
    %add3A_13 = arith.addf %dot_general3A_9, %add3A : vector<256x3072xf32>
    %swap3A = arith.constant 0 : index
    %swap3A_14 = arith.constant 0 : index
    %swap3A_15 = vector.load %arg5[%swap3A, %swap3A_14] : memref<256x3072xf32, #tpu.memory_space<vmem>>, vector<256x3072xf32>
    tpu.vector_store %arg5[%swap3A, %swap3A_14], %add3A_13 {strides = array<i32>} : memref<256x3072xf32, #tpu.memory_space<vmem>>, vector<256x3072xf32>,
    return
  }
  func.func @transform_0(%arg0: i32) -> (i32, i32) {
    %c0_i32 = arith.constant 0 : i32
    %c0_i32_0 = arith.constant 0 : i32
    return %arg0, %c0_i32 : i32, i32
  }
  func.func @transform_1(%arg0: i32) -> (i32, i32) {
    %c0_i32 = arith.constant 0 : i32
    %c0_i32_0 = arith.constant 0 : i32
    %c0_i32_1 = arith.constant 0 : i32
    return %c0_i32, %c0_i32_0 : i32, i32
  }
  func.func @transform_2(%arg0: i32) -> (i32, i32) {
    %c0_i32 = arith.constant 0 : i32
    %c0_i32_0 = arith.constant 0 : i32
    %c0_i32_1 = arith.constant 0 : i32
    return %c0_i32, %c0_i32_0 : i32, i32
  }
  func.func @transform_3(%arg0: i32) -> (i32, i32) {
    %c0_i32 = arith.constant 0 : i32
    %c0_i32_0 = arith.constant 0 : i32
    %c0_i32_1 = arith.constant 0 : i32
    return %c0_i32, %c0_i32_0 : i32, i32
  }
  func.func @transform_4(%arg0: i32) -> (i32, i32) {
    %c0_i32 = arith.constant 0 : i32
    %c0_i32_0 = arith.constant 0 : i32
    return %arg0, %c0_i32 : i32, i32
  }
}

</mosaic_0001>

<sc_bundles>
// kernel: kernel.5.cloned.1.call-start
scs
__scs_entry_jumppad:
0x0: {  	(pc) =	sbr.rel $0x88, $3  }
0x1: {  	(tag) =	ssettag $0x0;
	lr =	simm.s32 $0x1  }
0x2: {  	[smem:$0x3F9B] =	sst lr;
	_ =	strace $0xD0000000  }
0x3: {  	_ = 	snop  }
0x4: {  	_ = 	snop  }
0x5: {  	_ = 	snop  }
0x6: {  	_ = 	snop  }
0x7: {  	_ = 	snop  }
__scs_overlays_trampoline_lowered:
0x8: {  	[smem:$0x3FAA] =	sst s0  }
0x9: {  	[smem:$0x3FAB] =	sst s1  }
0xa: {  	[smem:$0x3FAC] =	sst s2  }
0xb: {  	[smem:$0x3FAD] =	sst s3  }
0xc: {  	[smem:$0x3FAE] =	sst s4  }
0xd: {  	[smem:$0x3FAF] =	sst s5  }
0xe: {  	[smem:$0x3FB0] =	sst s6  }
0xf: {  	[smem:$0x3FB1] =	sst s7  }
0x10: {  	[smem:$0x3FB2] =	sst s8  }
0x11: {  	[smem:$0x3FB3] =	sst s9;
	s0 =	simm.s32 @!p0 $0x0  }
0x12: {  	s1 =	sld [smem:$0x3F99];
	s0 =	simm.s32 @p0 $0x1  }
0x13: {  	[smem:$0x3FB4] =	sst s0;
	s0 =	simm.s32 @!p1 $0x0  }
0x14: {  	s2 =	sld [smem:$0x3F98];
	s0 =	simm.s32 @p1 $0x1  }
0x15: {  	[smem:$0x3FB5] =	sst s0;
	s0 =	simm.s32 @!p2 $0x0  }
0x16: {  	s3 =	sld [smem:$0x3FDB];
	s0 =	simm.s32 @p2 $0x1  }
0x17: {  	s4 =	simm.s32 $0x1BF5;
	[smem:$0x3FB7] =	sst s0  }
0x18: {  	s0 =	sld [smem:$0x3F9A];
	_ =	swait.ge [sflag:s4], $0x0  }
0x19: {  	s7 =	sld [smem:$0x3F9B]  }
0x1a: {  	s8 =	sadd.s32 $0xFFFFE003, lr  }
0x1b: {  	s9 =	sadd.s32 $0xFFFFFEF7, lr;
	s5 =	simm.s32 $0xFFFFFFFF;
	p2 =	slt.u32 s8, $0xFFFFF086  }
0x1c: {  	p1 =	slt.u32 s9, $0xF7A;
	s5 =	simm.s32 @!p2 $0x0  }
0x1d: {  	s5 =	simm.s32 @p1 $0x1;
	p0 =	seq.s32 s7, s2  }
0x1e: {  	s7 =	smul.u32 @!p0 $0xF7A, s2;
	p2 =	seq.s32 @!p0 s5, $0x0  }
0x1f: {  	s9 =	smul.u32 $0xF7A, s1;
	s8 =	simm.s32 @!p0 $0x1BF5;
	p2 =	por !p2, p0  }
0x20: {  	[sflag:s8] =	ssyncset.s32 @!p0 $0xFFFFF086;
	s6 =	sadd.s32 @!p0 s3, s7;
	s7 =	simm.s32 @!p0 $0x108  }
0x21: {  	s3 =	sadd.s32 s3, s9;
	s6 =	sadd.s32 @!p0 $0x88, s6;
	s7 =	simm.s32 @p2 $0x1082  }
0x22: {  	[simem:s7], [sflag:s8] =	dma.local @!p0 [hbm:s6], $0xF7A  }
0x23: {  	s9 =	sor.u32 $0xD0000000, s2;
	s6 =	simm.s32 $0x108;
	_ =	swait.ge @!p0 [sflag:s8], $0x0  }
0x24: {  	s3 =	sadd.s32 $0x88, s3;
	s6 =	simm.s32 @!p1 $0x1082;
	[sflag:s4] =	ssyncset.s32 $0xFFFFF086  }
0x25: {  	[simem:s6], [sflag:s4] =	dma.local [hbm:s3], $0xF7A  }
0x26: {  	[smem:$0x3F9B] =	sst s1;
	(tag) =	ssettag s2;
	_ =	strace s9  }
0x27: {  	s1 =	sld [smem:$0x3FAB]  }
0x28: {  	s2 =	sld [smem:$0x3FAC]  }
0x29: {  	s4 =	sld [smem:$0x3FAE]  }
0x2a: {  	p0 =	seq.s32 s5, $0x0;
	s5 =	sld [smem:$0x3FAF]  }
0x2b: {  	s6 =	sld [smem:$0x3FB0]  }
0x2c: {  	s7 =	sld [smem:$0x3FB1]  }
0x2d: {  	s3 =	simm.s32 $0x108;
	s8 =	sld [smem:$0x3FB2]  }
0x2e: {  	s3 =	simm.s32 @!p0 $0x1082;
	s9 =	sld [smem:$0x3FB3]  }
0x2f: {  	lr =	sadd.s32 s0, s3;
	s0 =	sld [smem:$0x3FAA]  }
0x30: {  	s3 =	sld [smem:$0x3FAD]  }
0x31: {  	[smem:$0x3FB6] =	sst s10  }
0x32: {  	s10 =	sld [smem:$0x3FB4];
	_ =	sdelay $0x3  }
0x33: {  	p0 =	seq.s32 s10, $0x1;
	s10 =	sld [smem:$0x3FB6];
	_ =	sdelay $0x3  }
0x34: {  	[smem:$0x3FB6] =	sst s10  }
0x35: {  	s10 =	sld [smem:$0x3FB5];
	_ =	sdelay $0x3  }
0x36: {  	p1 =	seq.s32 s10, $0x1;
	s10 =	sld [smem:$0x3FB6];
	_ =	sdelay $0x3  }
0x37: {  	[smem:$0x3FB6] =	sst s10  }
0x38: {  	s10 =	sld [smem:$0x3FB7]  }
0x39: {  	_ = 	snop;
	(pc) =	sbr.ind lr, $3  }
0x3a: {  	_ = 	snop  }
0x3b: {  	_ = 	snop  }
0x3c: {  	p2 =	seq.s32 s10, $0x1;
	s10 =	sld [smem:$0x3FB6]  }
0x3d: {  	_ =	shalt  }
0x3e: {  	_ =	shalt  }
0x3f: {  	_ =	shalt  }
0x40: {  	_ =	shalt  }
0x41: {  	_ =	shalt  }
0x42: {  	_ =	shalt  }
0x43: {  	_ =	shalt  }
0x44: {  	_ =	shalt  }
0x45: {  	_ =	shalt  }
0x46: {  	_ =	shalt  }
0x47: {  	_ =	shalt  }
0x48: {  	_ =	shalt  }
0x49: {  	_ =	shalt  }
0x4a: {  	_ =	shalt  }
0x4b: {  	_ =	shalt  }
0x4c: {  	_ =	shalt  }
0x4d: {  	_ =	shalt  }
0x4e: {  	_ =	shalt  }
0x4f: {  	_ =	shalt  }
0x50: {  	_ =	shalt  }
0x51: {  	_ =	shalt  }
0x52: {  	_ =	shalt  }
0x53: {  	_ =	shalt  }
0x54: {  	_ =	shalt  }
0x55: {  	_ =	shalt  }
0x56: {  	_ =	shalt  }
0x57: {  	_ =	shalt  }
0x58: {  	_ =	shalt  }
0x59: {  	_ =	shalt  }
0x5a: {  	_ =	shalt  }
0x5b: {  	_ =	shalt  }
0x5c: {  	_ =	shalt  }
0x5d: {  	_ =	shalt  }
0x5e: {  	_ =	shalt  }
0x5f: {  	_ =	shalt  }
0x60: {  	_ =	shalt  }
0x61: {  	_ =	shalt  }
0x62: {  	_ =	shalt  }
0x63: {  	_ =	shalt  }
0x64: {  	_ =	shalt  }
0x65: {  	_ =	shalt  }
0x66: {  	_ =	shalt  }
0x67: {  	_ =	shalt  }
0x68: {  	_ =	shalt  }
0x69: {  	_ =	shalt  }
0x6a: {  	_ =	shalt  }
0x6b: {  	_ =	shalt  }
0x6c: {  	_ =	shalt  }
0x6d: {  	_ =	shalt  }
0x6e: {  	_ =	shalt  }
0x6f: {  	_ =	shalt  }
0x70: {  	_ =	shalt  }
0x71: {  	_ =	shalt  }
0x72: {  	_ =	shalt  }
0x73: {  	_ =	shalt  }
0x74: {  	_ =	shalt  }
0x75: {  	_ =	shalt  }
0x76: {  	_ =	shalt  }
0x77: {  	_ =	shalt  }
0x78: {  	_ =	shalt  }
0x79: {  	_ =	shalt  }
0x7a: {  	_ =	shalt  }
0x7b: {  	_ =	shalt  }
0x7c: {  	_ =	shalt  }
0x7d: {  	_ =	shalt  }
0x7e: {  	_ =	shalt  }
0x7f: {  	_ =	shalt  }
0x80: {  	_ =	shalt  }
0x81: {  	_ =	shalt  }
0x82: {  	_ =	shalt  }
0x83: {  	_ =	shalt  }
0x84: {  	_ =	shalt  }
0x85: {  	_ =	shalt  }
0x86: {  	_ =	shalt  }
0x87: {  	_ =	shalt  }
.Lfunc_end0:
.L_simem_size_0:
called_computation.1_lowered:
.L_overlay_start_0:
0x88: {  	s2 =	sld [smem:$0x3FD9]  }
0x89: {  	s3 =	sld [smem:$0x3FFE];
	_ =	sdelay $0x1  }
0x8a: {  	s1 =	srdreg.scid  }
0x8b: {  	s0 =	sand.u32 $0x1, s1  }
0x8c: {  	s15 =	sshll.u32 s0, $0xA;
	s2 =	sadd.s32 s3, s2  }
0x8d: {  	s2 =	sadd.s32 s2, s15  }
0x8e: {  	[smem:$0x3FC2] =	sst s2  }
0x8f: {  	_ = 	snop  }
0x90: {  	s2 =	sld [smem:$0x3FD0];
	_ =	sdelay $0x2  }
0x91: {  	s16 =	simm.s32 $0xA;
	s4 =	simm.s32 $0x10  }
0x92: {  	[smem:s4], [sflag:s16] =	dma.local [hbm:s2], $0x1  }
0x93: {  	_ =	swait.eq [sflag:s16], $0x1  }
0x94: {  	[sflag:s16] =	ssyncset.done $0x0  }
0x95: {  	s17 =	sld [smem:$0x10];
	[sflag:s16] =	ssyncadd.s32 $0xFFFFFFFF  }
0x96: {  	s18 =	sld [smem:$0x11];
	(tm) =	ssettm $0x1  }
0x97: {  	s19 =	sld [smem:$0x3FFB];
	_ =	sdelay $0x3  }
0x98: {  	_ =	strace s19  }
0x99: {  	s4 =	sld [smem:$0x3FFC];
	_ =	sdelay $0x3  }
0x9a: {  	_ =	strace s4  }
0x9b: {  	s4 =	sld [smem:$0x3FFD];
	_ =	sdelay $0x3  }
0x9c: {  	_ =	strace s4  }
0x9d: {  	_ =	strace $0x8FFFFFFF  }
0x9e: {  	s20 =	sld [smem:$0x3FDB];
	_ =	sdelay $0x1  }
0x9f: {  	s5 =	simm.s32 $_scs_section_size  }
0xa0: {  	s6 =	simm.s32 $_size__tile_overlayer_lowered;
	s7 =	simm.s32 $_tile_overlayer_lowered  }
0xa1: {  	s23 =	simm.s32 $0x1BFF;
	s22 =	sshll.u32 s7, $0x1;
	s4 =	sadd.s32 s5, s20  }
0xa2: {  	s8 =	simm.s32 $0x0;
	s21 =	sshll.u32 s6, $0x1;
	s6 =	sadd.s32 s22, s4  }
0xa3: {  	[timem:s8], [sflag:s23] =	dma.local [hbm:s6], s21  }
0xa4: {  	_ =	swait.ge [sflag:s23], s21  }
0xa5: {  	s5 =	ssub.s32 $0x0, s21;
	[sflag:s23] =	ssyncset.done $0x0  }
0xa6: {  	[sflag:s23] =	ssyncadd.s32 s5;
	_ =	sdelay $0x1  }
0xa7: {  	s24 =	simm.s32 $0x1B8B  }
0xa8: {  	_ =	swait.ge [sflag:s24], $0x1  }
0xa9: {  	[sflag:s24] =	ssyncset.done $0x0  }
0xaa: {  	s25 =	simm.s32 $0x1B8E;
	[sflag:s24] =	ssyncadd.s32 $0xFFFFFFFF  }
0xab: {  	s26 =	simm.s32 $execute0_lowered;
	[smem:$0x3FD2] =	sst s25  }
0xac: {  	s5 =	sshll.u32 s26, $0x1;
	_ =	strace $0x80000049;
	[dreg:$0x1] =	wrdreg $0xFFFFFFFF  }
0xad: {  	s28 =	simm.s32 $_size_execute0_lowered;
	s4 =	sadd.s32 s4, s5;
	[dreg:$0x0] =	wrdreg $0x0  }
0xae: {  	s5 =	sshll.u32 s28, $0x1;
	[dreg:$0x2] =	wrdreg s4  }
0xaf: {  	[dreg:$0x3] =	wrdreg s5  }
0xb0: {  	[dreg:$0x4] =	wrdreg $0xC0  }
0xb1: {  	_ =	task [dreg:s8], $0x5FFFF  }
0xb2: {  	[dreg:$0x1] =	wrdreg $0xFFFFFFFF  }
0xb3: {  	[dreg:$0x0] =	wrdreg $0x60  }
0xb4: {  	[dreg:$0x2] =	wrdreg s18  }
0xb5: {  	[dreg:$0x3] =	wrdreg s17  }
0xb6: {  	[dreg:$0x4] =	wrdreg $0x9  }
0xb7: {  	_ =	task.clear_ibuf [dreg:s8], $0x5FFFF;
	_ =	strace $0x90000049  }
0xb8: {  	s29 =	simm.s32 $0x9;
	_ =	strace $0x8000004B  }
0xb9: {  	_ =	swait.ge [sflag:s29], $0x1  }
0xba: {  	[sflag:s29] =	ssyncadd.s32 $0xFFFFFFFF  }
0xbb: {  	_ =	strace $0x9000004B  }
0xbc: {  	_ =	sfence  }
0xbd: {  	s30 =	sld [smem:$0x0];
	_ =	sdelay $0x2  }
0xbe: {  	s31 =	sshll.u32 s1, $0xD;
	s1 =	sshrl.u32 s1, $0x2  }
0xbf: {  	s3 =	sand.u32 $0x4000, s31;
	s1 =	sadd.s32 s1, s30  }
0xc0: {  	s0 =	sor.u32 s3, s0;
	s1 =	sshll.u32 s1, $0x11  }
0xc1: {  	s0 =	sor.u32 s1, s0  }
0xc2: {  	s0 =	sadd.s32 $0x8F2B, s0  }
0xc3: {  	[sflag:s0] =	ssyncadd.remote.s32 $0x1  }
0xc4: {  	_ =	sfence.sel $0xFFFF  }
0xc5: {  	[dreg:$0x0] =	wrdreg $0xFFFFFFFF;
	(pc) =	sbr.abs _section_cstart, $3  }
0xc6: {  	[dreg:$0x1] =	wrdreg $0xFFFFFFFF  }
0xc7: {  	_ =	task.clear_ibuf [dreg:s8], $0x2FFFF;
	_ =	strace $0x9FFFFFFF  }
0xc8: {  	(tm) =	ssettm $0x7FFFFFFF  }
0xc9: {  	_ =	shalt  }
tec
execute0_lowered:
.L_overlay_start_1:
0x0: {  	(tag) =	ssettag $0x1  }
0x1: {  	s1 =	rddreg [dreg:$0x0]  }
0x2: {  	s5 =	rddreg [dreg:$0x1]  }
0x3: {  	s0 =	rddreg [dreg:$0x2];
	s4 =	srdreg.scid;
	s3 =	simm.s32 $0x0  }
0x4: {  	s2 =	stileid.u32;
	s9 =	simm.s32 $0xD000;
	s10 =	simm.s32 $0x0  }
.Ltmp0:
0x5: {  	s4 =	sand.u32 $0x1, s4;
	s7 =	sshll.u32 s2, $0xA;
	(pc) =	sbr.rel .LBB2_1-.Ltmp0, $4  }
0x6: {  	vm0 =	vmxor vm0, vm0;
	[smem:$0x7FF] =	sst s3;
	s6 =	ssub.s32 $0x2, s4;
	s4 =	sshll.u32 s4, $0x9  }
0x7: {  	v0 =	vlaneseq.u32;
	v4 =	vmpcnt.ones.xlane vm0;
	_ =	strace $0x8000004A;
	s8 =	sshrl.u32 s6, $0x1;
	s4 =	sor.u32 s4, s7  }
0x8: {  	v2 =	vimm.f32 $-Inf;
	v1 =	vmul.u32 $0xC00, v0;
	s6 =	ssub.s32 s6, s8;
	s7 =	sshrl.u32 s4, $0x3;
	s8 =	simm.s32 $0xC000  }
0x9: {  	v3 =	vimm.s32 $0x0;
	v5 =	vimm.s32 $0x80000000;
	v4 =	vxor.u32 $0x80000000, v4;
	s5 =	sadd.s32 s5, s7;
	s6 =	smax.u32 s6, $0x1;
	s7 =	simm.s32 $0x1  }
.LBB2_26:
0xa: {  	s10 =	sadd.s32 $0x1, s10  }
0xb: {  	p0 =	sne.s32 s10, s6  }
.Ltmp1:
0xc: {  	_ = 	snop;
	(pc) =	sbr.rel @!p0 .LBB2_27-.Ltmp1, $4  }
0xd: {  	[hbm4b:s5+s3] =	stream.linear.scatter [tilespmem:s9], [sflag:$0x1], $0x200, $0x38;
	[tilespmem:$0xD200] =	vst v63  }
0xe: {  	_ =	swait.ge [sflag:s7], $0x200  }
0xf: {  	[sflag:s7] =	ssyncset.done $0x0  }
0x10: {  	[sflag:s7] =	ssyncadd.s32 $0xFFFFFE00  }
.LBB2_1:
.Ltmp2:
0x11: {  	(pc) =	sbr.rel .LBB2_2-.Ltmp2, $2  }
0x12: {  	_ =	sdelay $0x2  }
0x13: {  	s11 =	simm.s32 $0x0  }
.LBB2_23:
0x14: {  	v6 =	vpsel p0, v6, v6;
	v8 =	vpsel p0, v8, v8;
	vm2 =	vmmov @p0 vm2  }
.LBB2_24:
0x15: {  	vm1 =	vgt.s32 v6, $0xFFFFFFFF  }
0x16: {  	v7 =	vsel vm1, $0xFFFFFFFF, v5  }
0x17: {  	v6 =	vxor.u32 v6, v7  }
0x18: {  	v6 =	vsel vm2, v8, v6  }
.LBB2_25:
0x19: {  	s11 =	sadd.s32 $0x1, s11  }
0x1a: {  	p0 =	sne.s32 s11, $0x20  }
.Ltmp3:
0x1b: {  	_ = 	snop;
	(pc) =	sbr.rel @!p0 .LBB2_26-.Ltmp3, $2  }
0x1c: {  	_ =	sdelay $0x2  }
0x1d: {  	[tilespmem:s12+$0xD000] =	vst v6  }
.LBB2_2:
0x1e: {  	s12 =	sshll.u32 s11, $0x4  }
0x1f: {  	s13 =	sadd.s32 s4, s12  }
0x20: {  	s13 =	smul.u32 $0x180, s13;
	_ =	sdelay $0x1  }
0x21: {  	s14 =	sadd.s32 s1, s13;
	s13 =	simm.s32 $0x0  }
0x22: {  	[tilespmem:s13], [sflag:$0x1] =	stream.linear.gather [hbm4b:s14+s13], $0xC000, $0x38;
	[tilespmem:$0xD200] =	vst v63  }
0x23: {  	_ =	swait.ge [sflag:s7], $0xC000  }
0x24: {  	[sflag:s7] =	ssyncset.done $0x0  }
0x25: {  	v6 =	vimm.f32 $+Inf;
	v7 =	vimm.f32 $-Inf;
	s14 =	simm.s32 $0x0;
	[sflag:s7] =	ssyncadd.s32 $0xFFFF4000  }
.LBB2_3:
0x26: {  	s15 =	sadd.s32 $0x0, s13  }
0x27: {  	v8 =	vadd.s32 s15, v1;
	_ =	sdelay $0x3  }
0x28: {  	s16 =	sadd.s32 $0x1, s13  }
0x29: {  	v9 =	vimm.f32 $-Inf;
	s15 =	simm.s32 $0x2;
	v10 =	vadd.s32 s16, v1;
	v8 =	vld.idx.msk [tilespmem:v8+s3+$0x0], $0xffff  }
.LBB2_4:
0x2a: {  	p0 =	sne.s32 s15, $0x5F  }
.Ltmp4:
0x2b: {  	_ = 	snop;
	(pc) =	sbr.rel @p0 .LBB2_4-.Ltmp4, $3  }
0x2c: {  	_ =	sdelay $0x1  }
0x2d: {  	s16 =	sadd.s32 s15, s13;
	s15 =	sadd.s32 $0x1, s15;
	v9 =	vmax.f32 v9, v8;
	v8 =	vld.idx.msk [tilespmem:v10+s3+$0x0], $0xffff  }
0x2e: {  	v10 =	vadd.s32 s16, v1  }
0x2f: {  	_ =	sdelay $0x3  }
0x30: {  	v10 =	vld.idx.msk [tilespmem:v10+s3+$0x0], $0xffff;
	s14 =	sadd.s32 $0x1, s14  }
0x31: {  	p0 =	sne.s32 s14, $0x20  }
.Ltmp5:
0x32: {  	_ = 	snop;
	(pc) =	sbr.rel @p0 .LBB2_3-.Ltmp5, $4  }
0x33: {  	_ = 	snop  }
0x34: {  	v8 =	vmax.f32 v9, v8  }
0x35: {  	v8 =	vmax.f32 v8, v10  }
0x36: {  	s13 =	sadd.s32 $0x60, s13;
	s15 =	simm.s32 $0x0;
	v6 =	vmin.f32 v6, v8;
	v7 =	vmax.f32 v7, v8  }
0x37: {  	s13 =	simm.s32 $0x0  }
.LBB2_7:
0x38: {  	p0 =	sne.s32 s13, $0x3FC0  }
.Ltmp6:
0x39: {  	_ = 	snop;
	(pc) =	sbr.rel @p0 .LBB2_7-.Ltmp6, $3  }
0x3a: {  	_ =	sdelay $0x1  }
0x3b: {  	s14 =	sshra.s32 s13, $0x2  }
0x3c: {  	s13 =	sadd.s32 $0x40, s13;
	[tilespmem:s14+$0xC000] =	vst v2  }
0x3d: {  	v8 =	vadd.s32 s15, v1;
	_ =	sdelay $0x4  }
0x3e: {  	v9 =	vld.idx.msk [tilespmem:v8+s3+$0x0], $0xffff;
	_ =	sdelay $0x1  }
0x3f: {  	v8 =	vimm.s32 $0x0  }
0x40: {  	vm1 =	vlt.s32 v8, $0xFF  }
0x41: {  	v10 =	vnsel vm1, $0xFF, v8  }
0x42: {  	v10 =	vshll.u32 v10, $0x4;
	vm1 =	vge.f32 v9, v6  }
0x43: {  	s13 =	simm.s32 $0x1;
	v10 =	vor.u32 v0, v10;
	v12 =	vsel vm1, $0x1, v3  }
0x44: {  	v11 =	vadd.s32 s13, v1;
	s13 =	simm.s32 $0x2;
	v8 =	vadd.s32 v12, v8  }
.LBB2_9:
0x45: {  	p0 =	sne.s32 s13, $0xBFF;
	_ =	sdelay $0x2  }
0x46: {  	[tilespmem:v10+s8+$0x0] =	vst.idx.msk vm1, v9  }
0x47: {  	v9 =	vld.idx.msk [tilespmem:v11+s3+$0x0], $0xffff;
	_ =	sdelay $0x3  }
.Ltmp7:
0x48: {  	vm1 =	vlt.s32 v8, $0xFF;
	(pc) =	sbr.rel @p0 .LBB2_9-.Ltmp7, $4  }
0x49: {  	v10 =	vnsel vm1, $0xFF, v8  }
0x4a: {  	v10 =	vshll.u32 v10, $0x4;
	vm1 =	vge.f32 v9, v6  }
0x4b: {  	v10 =	vor.u32 v0, v10;
	v12 =	vsel vm1, $0x1, v3  }
0x4c: {  	v11 =	vadd.s32 s13, v1;
	s13 =	sadd.s32 $0x1, s13;
	v8 =	vadd.s32 v12, v8  }
0x4d: {  	_ =	sdelay $0x4  }
0x4e: {  	[tilespmem:v10+s8+$0x0] =	vst.idx.msk vm1, v9  }
0x4f: {  	v9 =	vld.idx.msk [tilespmem:v11+s3+$0x0], $0xffff;
	_ =	sdelay $0x4  }
0x50: {  	vm1 =	vge.f32 v9, v6  }
0x51: {  	v60 =	vsel vm1, $0x1, v3  }
0x52: {  	v10 =	vadd.s32 v60, v8  }
0x53: {  	v10 =	vxor.u32 $0x80000000, v10  }
0x54: {  	(xrf0) =	vmax.scan.msk.u32 $0xffff, v10;
	_ =	sdelay $0x5  }
0x55: {  	v10, _, _ =	vpop (xrf0)  }
0x56: {  	(xrf0) =	vmax.scan.msk.u32 $0xffff, v4;
	(v2sf) =	vpush v10, $0xF;
	_ =	sdelay $0x5  }
0x57: {  	v61, _, _ =	vpop (xrf0)  }
0x58: {  	(v2sf) =	vpush v61, $0xF;
	_ =	sdelay $0x6  }
0x59: {  	vm2 =	vlt.s32 v8, $0xFF  }
0x5a: {  	v8 =	vnsel vm2, $0xFF, v8;
	s13 =	spop (v2sf)  }
0x5b: {  	v8 =	vshll.u32 v8, $0x4;
	s13 =	sxor.u32 $0x80000000, s13  }
0x5c: {  	v8 =	vor.u32 v0, v8;
	p0 =	sgt.s32 s13, $0x100  }
.Ltmp8:
0x5d: {  	_ = 	snop;
	(pc) =	sbr.rel @!p0 .LBB2_11-.Ltmp8, $4  }
0x5e: {  	v62 =	vshra.s32 v7, $0x1F  }
0x5f: {  	v63 =	vshra.s32 v6, $0x1F;
	v10 =	vor.u32 $0x80000000, v62  }
0x60: {  	v11 =	vor.u32 $0x80000000, v63;
	v7 =	vxor.u32 v7, v10  }
0x61: {  	v6 =	vxor.u32 v6, v11;
	[tilespmem:v8+s8+$0x0] =	vst.idx.msk vm1, v9;
	v7 =	vadd.s32 $0x1, v7;
	s14 =	spop (v2sf)  }
0x62: {  	p0 =	sgt.u32 s14, $0x8000000F  }
.Ltmp9:
0x63: {  	_ = 	snop;
	(pc) =	sbr.rel @p0 .LBB2_24-.Ltmp9, $2  }
0x64: {  	_ =	sdelay $0x2  }
0x65: {  	s13 =	simm.s32 $0x0;
	v8 =	vimm.f32 $0.0e+00;
	vm1 =	vmmov vm0;
	s14 =	simm.s32 $0x0;
	vm2 =	vmmov vm0  }
.LBB2_20:
0x66: {  	v9 =	vadd.s32 s13, v1;
	_ =	sdelay $0x3  }
0x67: {  	v10 =	vsub.s32 v7, v6;
	s15 =	simm.s32 $0x1  }
0x68: {  	v10 =	vshrl.u32 v10, $0x1;
	v12 =	vadd.s32 s15, v1;
	v13 =	vld.idx.msk [tilespmem:v9+s3+$0x0], $0xffff  }
0x69: {  	v9 =	vadd.s32 v6, v10  }
0x6a: {  	vm2 =	vgt.s32 v9, $0xFFFFFFFF  }
0x6b: {  	v10 =	vsel vm2, $0xFFFFFFFF, v5  }
0x6c: {  	v10 =	vxor.u32 v9, v10  }
0x6d: {  	v11 =	vimm.s32 $0x0;
	s15 =	simm.s32 $0x2;
	v12 =	vld.idx.msk [tilespmem:v12+s3+$0x0], $0xffff;
	vm2 =	vge.f32 v13, v10  }
.LBB2_21:
0x6e: {  	v13 =	vadd.s32 s15, v1;
	p0 =	sne.s32 s15, $0xBFF;
	s15 =	sadd.s32 $0x1, s15;
	v14 =	vsel vm2, $0x1, v3  }
.Ltmp10:
0x6f: {  	v11 =	vadd.s32 v14, v11;
	(pc) =	sbr.rel @p0 .LBB2_21-.Ltmp10, $2  }
0x70: {  	_ =	sdelay $0x2  }
0x71: {  	vm2 =	vge.f32 v12, v10;
	v12 =	vld.idx.msk [tilespmem:v13+s3+$0x0], $0xffff  }
0x72: {  	_ =	sdelay $0x3  }
0x73: {  	v13 =	vsel vm2, $0x1, v3;
	vm2 =	vge.f32 v12, v10  }
0x74: {  	v11 =	vadd.s32 v13, v11;
	v12 =	vsel vm2, $0x1, v3  }
0x75: {  	v11 =	vadd.s32 v12, v11  }
0x76: {  	vm3 =	veq.s32 v11, $0x20  }
0x77: {  	vm2 =	vmor vm1, vm3  }
0x78: {  	v63 =	vmpcnt.ones.xlane vm2;
	_ =	sdelay $0x1  }
0x79: {  	v12 =	vxor.u32 $0x80000000, v63  }
0x7a: {  	(xrf0) =	vmax.scan.msk.u32 $0xffff, v12;
	_ =	sdelay $0x5  }
0x7b: {  	v12, _, _ =	vpop (xrf0)  }
0x7c: {  	(v2sf) =	vpush v12, $0xF;
	_ =	sdelay $0xe  }
0x7d: {  	p0 =	sgt.u32 s14, $0x1F;
	s15 =	spop (v2sf)  }
0x7e: {  	p1 =	slt.u32 @!p0 s15, $0x80000010  }
0x7f: {  	p1 =	por p0, !p1  }
.Ltmp11:
0x80: {  	_ = 	snop;
	(pc) =	sbr.rel @!p1 .LBB2_20-.Ltmp11, $4  }
.Ltmp12:
0x81: {  	vm5 =	vmneg vm1;
	(pc) =	sbr.rel @p1 .LBB2_23-.Ltmp12, $4  }
0x82: {  	vm4 =	vlt.s32 v11, $0x20;
	vm3 =	vmand vm3, vm5  }
0x83: {  	vm1 =	vmor vm1, vm4;
	vm4 =	vmand vm4, vm5;
	v8 =	vsel vm3, v10, v8  }
0x84: {  	s14 =	sadd.s32 $0x1, s14;
	v6 =	vsel vm1, v6, v9;
	v7 =	vsel vm4, v9, v7;
	vm1 =	vmmov vm2  }
0x85: {  	_ = 	snop  }
.LBB2_11:
0x86: {  	p0 =	slt.u32 s14, $0x80000010  }
.Ltmp13:
0x87: {  	_ = 	snop;
	(pc) =	sbr.rel @!p0 .LBB2_18-.Ltmp13, $4  }
.Ltmp14:
0x88: {  	_ = 	snop;
	(pc) =	sbr.rel @p0 .LBB2_12-.Ltmp14, $4  }
0x89: {  	_ = 	snop  }
0x8a: {  	_ = 	snop  }
0x8b: {  	s14 =	simm.s32 $0x0;
	v8 =	vimm.f32 $0.0e+00;
	vm1 =	vmmov vm0;
	vm2 =	vmmov vm0  }
0x8c: {  	_ = 	snop  }
.LBB2_15:
0x8d: {  	v12 =	vsel vm2, $0x1, v3  }
0x8e: {  	v11 =	vadd.s32 v12, v11  }
.LBB2_16:
0x8f: {  	vm3 =	veq.s32 v11, $0x20  }
0x90: {  	vm2 =	vmor vm1, vm3  }
0x91: {  	v12 =	vmpcnt.ones.xlane vm2;
	_ =	sdelay $0x1  }
0x92: {  	v12 =	vxor.u32 $0x80000000, v12  }
0x93: {  	(xrf0) =	vmax.scan.msk.u32 $0xffff, v12;
	_ =	sdelay $0x5  }
0x94: {  	v12, _, _ =	vpop (xrf0)  }
0x95: {  	(v2sf) =	vpush v12, $0xF;
	_ =	sdelay $0xe  }
0x96: {  	p0 =	sgt.u32 s14, $0x1F;
	s15 =	spop (v2sf)  }
0x97: {  	p1 =	slt.u32 @!p0 s15, $0x80000010  }
0x98: {  	p1 =	por p0, !p1  }
.Ltmp15:
0x99: {  	_ = 	snop;
	(pc) =	sbr.rel @p1 .LBB2_17-.Ltmp15, $4  }
0x9a: {  	vm5 =	vmneg vm1  }
0x9b: {  	vm4 =	vlt.s32 v11, $0x20;
	vm3 =	vmand vm3, vm5  }
0x9c: {  	vm1 =	vmor vm1, vm4;
	vm4 =	vmand vm4, vm5;
	v8 =	vsel vm3, v10, v8  }
0x9d: {  	s14 =	sadd.s32 $0x1, s14;
	v6 =	vsel vm1, v6, v9;
	v7 =	vsel vm4, v9, v7;
	vm1 =	vmmov vm2  }
.LBB2_12:
0x9e: {  	v9 =	vsub.s32 v7, v6;
	p0 =	slt.s32 s13, $0x1  }
.Ltmp16:
0x9f: {  	v9 =	vshrl.u32 v9, $0x1;
	(pc) =	sbr.rel @p0 .LBB2_16-.Ltmp16, $4  }
0xa0: {  	v9 =	vadd.s32 v6, v9  }
0xa1: {  	vm2 =	vgt.s32 v9, $0xFFFFFFFF  }
0xa2: {  	v10 =	vsel vm2, $0xFFFFFFFF, v5  }
0xa3: {  	v11 =	vimm.s32 $0x0;
	s16 =	simm.s32 $0xC000;
	v10 =	vxor.u32 v9, v10  }
0xa4: {  	v12 =	vld [tilespmem:s16+$0x0];
	p0 =	sne.s32 s13, $0x1  }
.Ltmp17:
0xa5: {  	_ = 	snop;
	(pc) =	sbr.rel @!p0 .LBB2_15-.Ltmp17, $2  }
0xa6: {  	_ =	sdelay $0x2  }
0xa7: {  	s15 =	sadd.s32 $0xFFFFFFFF, s13;
	s16 =	sadd.s32 $0x10, s16;
	vm2 =	vge.f32 v12, v10  }
.LBB2_14:
0xa8: {  	v12 =	vld [tilespmem:s16+$0x0];
	p0 =	sne.s32 s15, $0x1;
	s15 =	sadd.s32 $0xFFFFFFFF, s15;
	v13 =	vsel vm2, $0x1, v3  }
.Ltmp18:
0xa9: {  	v11 =	vadd.s32 v13, v11;
	(pc) =	sbr.rel @p0 .LBB2_14-.Ltmp18, $2  }
0xaa: {  	_ =	sdelay $0x2  }
0xab: {  	s16 =	sadd.s32 $0x10, s16;
	vm2 =	vge.f32 v12, v10  }
.Ltmp19:
0xac: {  	_ = 	snop;
	(pc) =	sbr.rel .LBB2_15-.Ltmp19, $1  }
0xad: {  	_ =	sdelay $0x3  }
.LBB2_17:
0xae: {  	v6 =	vpsel p0, v6, v6;
	v8 =	vpsel p0, v8, v8;
	vm2 =	vmmov @p0 vm2  }
.LBB2_18:
.Ltmp20:
0xaf: {  	(pc) =	sbr.rel .LBB2_25-.Ltmp20, $4  }
0xb0: {  	vm1 =	vgt.s32 v6, $0xFFFFFFFF  }
0xb1: {  	v7 =	vsel vm1, $0xFFFFFFFF, v5  }
0xb2: {  	v6 =	vxor.u32 v6, v7  }
0xb3: {  	v6 =	vsel vm2, v8, v6  }
.LBB2_27:
0xb4: {  	_ =	sfence.sel $0x180000  }
0xb5: {  	[bflag:$0x0] =	sbarrier.arrive $0xFFFF  }
0xb6: {  	p0 =	sne.s32 s2, $0x0;
	_ =	strace $0x9000004A  }
0xb7: {  	s0 =	sadd.s32 @!p0 $0x100000, s0;
	[bflag:$0x2] =	sbarrier.arrive $0xFFFF  }
0xb8: {  	[sflag:s0] =	ssyncadd.tile.s32 @!p0 $0x1;
	_ =	shalt  }
.Lfunc_end2:
_tile_overlayer_lowered:
.L_overlay_start_2:
0xb9: {  	(tag) =	ssettag $0x2  }
0xba: {  	s0 =	rddreg [dreg:$0x0];
	s2 =	stileid.u32  }
0xbb: {  	s1 =	rddreg [dreg:$0x1];
	p0 =	sne.s32 s2, $0x0  }
0xbc: {  	s3 =	rddreg [dreg:$0x2];
	[bflag:$0x3] =	sbarrier.arrive $0xFFFF;
	s2 =	simm.s32 @!p0 $0x1C01  }
0xbd: {  	[timem:s3], [sflag:s2] =	dma.local @!p0 [hbm:s0], s1  }
0xbe: {  	s0 =	simm.s32 @!p0 $0x1  }
0xbf: {  	_ =	swait.ge @!p0 [sflag:s0], s1  }
0xc0: {  	s1 =	ssub.s32 @!p0 $0x0, s1;
	[sflag:s0] =	ssyncset.done @!p0 $0x0  }
0xc1: {  	[sflag:s0] =	ssyncadd.s32 @!p0 s1  }
0xc2: {  	[bflag:$0x3] =	sbarrier.arrive $0xFFFF  }
0xc3: {  	_ =	shalt  }

// kernel: sparse-core-data-format-call.cloned.1.call-start
scs
called_computation_lowered:
.L_overlay_start_0:
0x0: {  	s2 =	sld [smem:$0x3FD9]  }
0x1: {  	s3 =	sld [smem:$0x3FFE];
	_ =	sdelay $0x1  }
0x2: {  	s1 =	srdreg.scid  }
0x3: {  	s0 =	sand.u32 $0x1, s1  }
0x4: {  	s15 =	sshll.u32 s0, $0xA;
	s2 =	sadd.s32 s3, s2  }
0x5: {  	s2 =	sadd.s32 s2, s15  }
0x6: {  	[smem:$0x3FC2] =	sst s2  }
0x7: {  	_ = 	snop  }
0x8: {  	s2 =	sld [smem:$0x3FD0];
	_ =	sdelay $0x2  }
0x9: {  	s16 =	simm.s32 $0xA;
	s4 =	simm.s32 $0x10  }
0xa: {  	[smem:s4], [sflag:s16] =	dma.local [hbm:s2], $0x1  }
0xb: {  	_ =	swait.eq [sflag:s16], $0x1  }
0xc: {  	[sflag:s16] =	ssyncset.done $0x0  }
0xd: {  	[sflag:s16] =	ssyncadd.s32 $0xFFFFFFFF  }
0xe: {  	s17 =	sld [smem:$0x11];
	(tm) =	ssettm $0x1  }
0xf: {  	s18 =	sld [smem:$0x3FFB];
	_ =	sdelay $0x3  }
0x10: {  	_ =	strace s18  }
0x11: {  	s3 =	sld [smem:$0x3FFC];
	_ =	sdelay $0x3  }
0x12: {  	_ =	strace s3  }
0x13: {  	s3 =	sld [smem:$0x3FFD];
	_ =	sdelay $0x3  }
0x14: {  	_ =	strace s3  }
0x15: {  	_ =	strace $0x8FFFFFFF  }
0x16: {  	s19 =	sld [smem:$0x3FDB];
	_ =	sdelay $0x1  }
0x17: {  	s20 =	simm.s32 $_scs_section_size  }
0x18: {  	s5 =	simm.s32 $_size__tile_overlayer_lowered;
	s6 =	simm.s32 $_tile_overlayer_lowered  }
0x19: {  	s23 =	simm.s32 $0x1BFF;
	s22 =	sshll.u32 s6, $0x1;
	s3 =	sadd.s32 s20, s19  }
0x1a: {  	s7 =	simm.s32 $0x0;
	s21 =	sshll.u32 s5, $0x1;
	s5 =	sadd.s32 s22, s3  }
0x1b: {  	[timem:s7], [sflag:s23] =	dma.local [hbm:s5], s21  }
0x1c: {  	_ =	swait.ge [sflag:s23], s21  }
0x1d: {  	s4 =	ssub.s32 $0x0, s21;
	[sflag:s23] =	ssyncset.done $0x0  }
0x1e: {  	[sflag:s23] =	ssyncadd.s32 s4;
	_ =	sdelay $0x1  }
0x1f: {  	s24 =	simm.s32 $0x1B8B  }
0x20: {  	_ =	swait.ge [sflag:s24], $0x1  }
0x21: {  	[sflag:s24] =	ssyncset.done $0x0  }
0x22: {  	s26 =	simm.s32 $0x1B8E;
	s25 =	sld [smem:$0x3FFE];
	[sflag:s24] =	ssyncadd.s32 $0xFFFFFFFF  }
0x23: {  	s27 =	simm.s32 $execute0_lowered;
	[smem:$0x3FD2] =	sst s26  }
0x24: {  	s5 =	sshll.u32 s27, $0x1;
	_ =	strace $0x80000046;
	[dreg:$0x1] =	wrdreg $0xFFFFFFFF  }
0x25: {  	s28 =	simm.s32 $_size_execute0_lowered;
	s3 =	sadd.s32 s3, s5;
	[dreg:$0x0] =	wrdreg $0x0  }
0x26: {  	s5 =	sshll.u32 s28, $0x1;
	[dreg:$0x2] =	wrdreg s3  }
0x27: {  	[dreg:$0x3] =	wrdreg s5  }
0x28: {  	[dreg:$0x4] =	wrdreg $0xC0  }
0x29: {  	_ =	task [dreg:s7], $0x5FFFF  }
0x2a: {  	[dreg:$0x1] =	wrdreg $0xFFFFFFFF  }
0x2b: {  	[dreg:$0x0] =	wrdreg $0x60  }
0x2c: {  	[dreg:$0x2] =	wrdreg s25  }
0x2d: {  	[dreg:$0x3] =	wrdreg s17  }
0x2e: {  	[dreg:$0x4] =	wrdreg $0x9  }
0x2f: {  	_ =	task.clear_ibuf [dreg:s7], $0x5FFFF;
	_ =	strace $0x90000046  }
0x30: {  	s29 =	simm.s32 $0x9;
	_ =	strace $0x80000048  }
0x31: {  	_ =	swait.ge [sflag:s29], $0x1  }
0x32: {  	[sflag:s29] =	ssyncadd.s32 $0xFFFFFFFF  }
0x33: {  	_ =	strace $0x90000048  }
0x34: {  	_ =	sfence  }
0x35: {  	s30 =	sld [smem:$0x0];
	_ =	sdelay $0x2  }
0x36: {  	s31 =	sshll.u32 s1, $0xD;
	s1 =	sshrl.u32 s1, $0x2  }
0x37: {  	s3 =	sand.u32 $0x4000, s31;
	s1 =	sadd.s32 s1, s30  }
0x38: {  	s0 =	sor.u32 s3, s0;
	s1 =	sshll.u32 s1, $0x11  }
0x39: {  	s0 =	sor.u32 s1, s0  }
0x3a: {  	s0 =	sadd.s32 $0x8F2B, s0  }
0x3b: {  	[sflag:s0] =	ssyncadd.remote.s32 $0x1  }
0x3c: {  	_ =	sfence.sel $0xFFFF  }
0x3d: {  	[dreg:$0x0] =	wrdreg $0xFFFFFFFF;
	(pc) =	sbr.abs _section_cstart, $3  }
0x3e: {  	[dreg:$0x1] =	wrdreg $0xFFFFFFFF  }
0x3f: {  	_ =	task.clear_ibuf [dreg:s7], $0x2FFFF;
	_ =	strace $0x9FFFFFFF  }
0x40: {  	(tm) =	ssettm $0x7FFFFFFF  }
0x41: {  	_ =	shalt  }
tec
execute0_lowered:
.L_overlay_start_1:
0x0: {  	(tag) =	ssettag $0x1  }
0x1: {  	s0 =	srdreg.scid  }
0x2: {  	s1 =	sshll.u32 s0, $0x4  }
0x3: {  	s0 =	stileid.u32;
	s1 =	sand.u32 $0x10, s1  }
0x4: {  	s6 =	rddreg [dreg:$0x0];
	s1 =	sor.u32 s0, s1  }
0x5: {  	s4 =	simm.s32 $0x1;
	s7 =	simm.s32 $0x2;
	s2 =	sshll.u32 s1, $0x1  }
0x6: {  	s14 =	simm.s32 $0x0;
	s8 =	simm.s32 $0x400;
	s1 =	ssub.s32 $0x800, s2  }
0x7: {  	s9 =	simm.s32 $0xC00;
	s10 =	simm.s32 $0x0;
	s3 =	sand.u32 $0x3E, s1  }
0x8: {  	s15 =	simm.s32 $0x0;
	s5 =	sshrl.u32 s1, $0x6;
	p0 =	sne.s32 s3, $0x0  }
.Ltmp0:
0x9: {  	s1 =	rddreg [dreg:$0x2];
	s4 =	simm.s32 @!p0 $0x0;
	(pc) =	sbr.rel .LBB1_1-.Ltmp0, $4  }
0xa: {  	s11 =	simm.s32 $0x0;
	s3 =	rddreg [dreg:$0x1];
	s5 =	sadd.s32 s4, s5  }
0xb: {  	_ =	strace $0x80000047;
	s4 =	simm.s32 $0x1;
	s5 =	smul.u32 $0x3, s5  }
0xc: {  	s13 =	simm.s32 $0x0;
	s6 =	sadd.s32 $0x1600, s6;
	[sflag:s4] =	ssyncpa.u1 $0x0  }
0xd: {  	s12 =	smov.u32 s2;
	[sflag:s7] =	ssyncpa.u1 $0x0;
	s7 =	sadd.s32 $0x1, s5  }
.LBB1_9:
0xe: {  	s16 =	sadd.s32 $0x8, s11  }
0xf: {  	s14 =	sadd.s32 $0x40, s12;
	s18 =	smov.u32 s12;
	p1 =	sgt.s32 s16, $0x17  }
0x10: {  	s18 =	smov.u32 @p1 s14  }
0x11: {  	s16 =	simm.s32 @p1 $0x0;
	p1 =	sgt.s32 s18, $0x7FF  }
0x12: {  	s18 =	smov.u32 @p1 s2;
	p1 =	sne.s32 s13, s7  }
.Ltmp1:
0x13: {  	p0 =	slt.u32 s13, $0x2;
	(pc) =	sbr.rel @!p1 .LBB1_10-.Ltmp1, $4  }
0x14: {  	s17 =	simm.s32 @!p0 $0x2  }
0x15: {  	s15 =	smov.u32 s12;
	s10 =	sadd.s32 $0x4000, s10;
	_ =	swait.ge @!p0 [sflag:s17], $0x4000  }
0x16: {  	s14 =	smov.u32 s11;
	[sflag:s17] =	ssyncset.done @!p0 $0x0;
	s11 =	smov.u32 s16  }
0x17: {  	s13 =	sadd.s32 $0x1, s13;
	[sflag:s17] =	ssyncadd.s32 @!p0 $0xFFFFC000;
	s12 =	smov.u32 s18  }
.LBB1_1:
0x18: {  	p0 =	sge.u32 s13, s5  }
0x19: {  	s17 =	smul.u32 @!p0 $0xC00, s12  }
0x1a: {  	s31 =	sadd.s32 $0xFFFFFFFF, s13;
	s16 =	sxor.u32 @!p0 $0xFFFFFFFF, s13;
	s18 =	sshll.u32 @!p0 s11, $0x7  }
0x1b: {  	s19 =	simm.s32 @!p0 $0x6000;
	s16 =	sshll.u32 @!p0 s16, $0xE;
	s17 =	sadd.s32 @!p0 s6, s17  }
0x1c: {  	s16 =	sand.u32 @!p0 $0x4000, s16;
	s17 =	sadd.s32 @!p0 s18, s17;
	s18 =	simm.s32 @!p0 $0x2000  }
0x1d: {  	[tilespmem:s16], [sflag:$0x1] =	stream.strided.gather @!p0 [hbm4b:s17+s18], $0x4000, s19, s18, $0x38;
	[tilespmem:$0x10000] =	vst v63  }
0x1e: {  	p0 =	sge.u32 s31, s5  }
.Ltmp2:
0x1f: {  	_ = 	snop;
	(pc) =	sbr.rel @p0 .LBB1_9-.Ltmp2, $1  }
0x20: {  	_ =	sdelay $0x3  }
0x21: {  	s16 =	sshll.u32 s10, $0x2  }
0x22: {  	_ =	swait.ge [sflag:s4], $0x4000;
	s17 =	sshll.u32 s13, $0xE;
	s19 =	simm.s32 $0x0  }
0x23: {  	p1 =	por $0x1, $0x1;
	s16 =	sand.u32 $0x10000, s16;
	[sflag:s4] =	ssyncset.done $0x0  }
0x24: {  	s17 =	sand.u32 $0x4000, s17;
	s18 =	sshrl.u32 s16, $0x2;
	[sflag:s4] =	ssyncadd.s32 $0xFFFFC000  }
0x25: {  	s16 =	sor.u32 $0x8000, s17;
	s17 =	sadd.s32 $0x8040, s18;
	s18 =	sadd.s32 $0x40, s18  }
.LBB1_3:
0x26: {  	s19 =	sshll.u32 s19, $0x2  }
0x27: {  	p0 =	por p1, p1;
	s20 =	sshra.s32 s19, $0x2  }
0x28: {  	s21 =	simm.s32 $0x0;
	s19 =	sadd.s32 s20, s17;
	s20 =	sadd.s32 s20, s18  }
.LBB1_4:
0x29: {  	v0 =	vmov s20;
	_ =	sdelay $0x3  }
0x2a: {  	s23 =	simm.s32 $0x0  }
0x2b: {  	v6 =	vld.idx.msk [tilespmem:v0+s23+$0x30 ss:$0x1], $0xffff  }
0x2c: {  	v7 =	vld.idx.msk [tilespmem:v0+s23+$0xFFFFFFC0 ss:$0x1], $0xffff  }
0x2d: {  	v5 =	vld.idx.msk [tilespmem:v0+s23+$0xFFFFFFD0 ss:$0x1], $0xffff  }
0x2e: {  	v4 =	vld.idx.msk [tilespmem:v0+s23+$0xFFFFFFE0 ss:$0x1], $0xffff  }
0x2f: {  	v3 =	vld.idx.msk [tilespmem:v0+s23+$0xFFFFFFF0 ss:$0x1], $0xffff  }
0x30: {  	v1 =	vld.idx.msk [tilespmem:v0+s23+$0x0 ss:$0x1], $0xffff  }
0x31: {  	v2 =	vld.idx.msk [tilespmem:v0+s23+$0x10 ss:$0x1], $0xffff;
	[tilespmem:s19+$0x30] =	vst v6  }
0x32: {  	s22 =	simm.s32 $0x80;
	s24 =	simm.s32 $0x400;
	[tilespmem:s19+$0xFFFFFFC0] =	vst v7;
	v6 =	vld.idx.msk [tilespmem:v0+s23+$0x20 ss:$0x1], $0xffff;
	s23 =	smov.u32 s19  }
.LBB1_5:
0x33: {  	p1 =	sne.s32 s24, $0xE00;
	v7 =	vld.idx.msk [tilespmem:v0+s22+$0x30 ss:$0x1], $0xffff;
	[tilespmem:s23+$0xFFFFFFD0] =	vst v5  }
0x34: {  	v8 =	vld.idx.msk [tilespmem:v0+s22+$0xFFFFFFC0 ss:$0x1], $0xffff;
	[tilespmem:s23+$0xFFFFFFE0] =	vst v4  }
0x35: {  	v5 =	vld.idx.msk [tilespmem:v0+s22+$0xFFFFFFD0 ss:$0x1], $0xffff;
	[tilespmem:s23+$0xFFFFFFF0] =	vst v3  }
.Ltmp3:
0x36: {  	v4 =	vld.idx.msk [tilespmem:v0+s22+$0xFFFFFFE0 ss:$0x1], $0xffff;
	[tilespmem:s23+$0x0] =	vst v1;
	(pc) =	sbr.rel @p1 .LBB1_5-.Ltmp3, $4  }
0x37: {  	v3 =	vld.idx.msk [tilespmem:v0+s22+$0xFFFFFFF0 ss:$0x1], $0xffff;
	[tilespmem:s23+$0x10] =	vst v2  }
0x38: {  	v1 =	vld.idx.msk [tilespmem:v0+s22+$0x0 ss:$0x1], $0xffff;
	[tilespmem:s23+$0x20] =	vst v6;
	s23 =	sadd.s32 $0x400, s23  }
0x39: {  	v2 =	vld.idx.msk [tilespmem:v0+s22+$0x10 ss:$0x1], $0xffff;
	[tilespmem:s23+$0x30] =	vst v7  }
0x3a: {  	[tilespmem:s23+$0xFFFFFFC0] =	vst v8;
	v6 =	vld.idx.msk [tilespmem:v0+s22+$0x20 ss:$0x1], $0xffff;
	s22 =	sshra.s32 s24, $0x2;
	s24 =	sadd.s32 $0x200, s24  }
0x3b: {  	_ =	sdelay $0x2  }
0x3c: {  	[tilespmem:s23+$0xFFFFFFD0] =	vst v5  }
0x3d: {  	v56 =	vld.idx.msk [tilespmem:v0+s22+$0x30 ss:$0x1], $0xffff;
	[tilespmem:s23+$0xFFFFFFE0] =	vst v4  }
0x3e: {  	v57 =	vld.idx.msk [tilespmem:v0+s22+$0xFFFFFFC0 ss:$0x1], $0xffff;
	[tilespmem:s23+$0xFFFFFFF0] =	vst v3  }
0x3f: {  	v58 =	vld.idx.msk [tilespmem:v0+s22+$0xFFFFFFD0 ss:$0x1], $0xffff;
	[tilespmem:s23+$0x0] =	vst v1  }
0x40: {  	v59 =	vld.idx.msk [tilespmem:v0+s22+$0xFFFFFFE0 ss:$0x1], $0xffff;
	[tilespmem:s23+$0x10] =	vst v2  }
0x41: {  	v60 =	vld.idx.msk [tilespmem:v0+s22+$0xFFFFFFF0 ss:$0x1], $0xffff;
	s31 =	sadd.s32 $0x400, s23;
	[tilespmem:s23+$0x20] =	vst v6  }
0x42: {  	v61 =	vld.idx.msk [tilespmem:v0+s22+$0x0 ss:$0x1], $0xffff;
	[tilespmem:s31+$0x30] =	vst v56  }
0x43: {  	v62 =	vld.idx.msk [tilespmem:v0+s22+$0x10 ss:$0x1], $0xffff;
	s21 =	sadd.s32 $0x1, s21;
	[tilespmem:s31+$0xFFFFFFC0] =	vst v57  }
0x44: {  	v63 =	vld.idx.msk [tilespmem:v0+s22+$0x20 ss:$0x1], $0xffff;
	p1 =	sne.s32 s21, $0x8;
	[tilespmem:s31+$0xFFFFFFD0] =	vst v58  }
.Ltmp4:
0x45: {  	[tilespmem:s31+$0xFFFFFFE0] =	vst v59;
	(pc) =	sbr.rel @p1 .LBB1_4-.Ltmp4, $4  }
0x46: {  	[tilespmem:s31+$0xFFFFFFF0] =	vst v60  }
0x47: {  	[tilespmem:s31+$0x0] =	vst v61  }
0x48: {  	[tilespmem:s31+$0x10] =	vst v62  }
0x49: {  	s19 =	sadd.s32 $0x80, s19;
	s20 =	sadd.s32 $0x400, s20;
	[tilespmem:s31+$0x20] =	vst v63  }
.Ltmp5:
0x4a: {  	(pc) =	sbr.rel @p0 .LBB1_3-.Ltmp5, $2  }
0x4b: {  	_ =	sdelay $0x2  }
0x4c: {  	s19 =	simm.s32 $0x2000;
	p1 =	por $0x0, $0x0  }
0x4d: {  	s14 =	sand.u32 $0x1FFFFFF, s14  }
0x4e: {  	s17 =	smulhi.u32 $0xAAAAAAB, s14  }
0x4f: {  	s15 =	smul.u32 $0xC00, s15  }
0x50: {  	s17 =	smul.u32 $0x18, s17  }
.Ltmp6:
0x51: {  	_ = 	snop;
	(pc) =	sbr.rel .LBB1_9-.Ltmp6, $4  }
0x52: {  	s14 =	ssub.s32 s14, s17  }
0x53: {  	s15 =	sadd.s32 s3, s15;
	s14 =	sshll.u32 s14, $0x4  }
0x54: {  	s14 =	sadd.s32 s14, s15  }
0x55: {  	[hbm4b:s14+s8] =	stream.strided.scatter [tilespmem:s16], [sflag:$0x2], $0x4000, s9, s8, $0x38;
	[tilespmem:$0x10000] =	vst v63  }
.LBB1_10:
0x56: {  	_ =	sfence.sel $0x180000  }
0x57: {  	s2 =	simm.s32 $0x1;
	[bflag:$0x0] =	sbarrier.arrive $0xFFFF  }
0x58: {  	s31 =	simm.s32 $0x2;
	[sflag:s2] =	ssyncpa.u1 $0x1  }
0x59: {  	[sflag:s31] =	ssyncpa.u1 $0x1  }
0x5a: {  	p0 =	sne.s32 s0, $0x0;
	_ =	strace $0x90000047  }
0x5b: {  	s0 =	sadd.s32 @!p0 $0x100000, s1;
	[bflag:$0x2] =	sbarrier.arrive $0xFFFF  }
0x5c: {  	[sflag:s0] =	ssyncadd.tile.s32 @!p0 $0x1;
	_ =	shalt  }
.Lfunc_end1:
_tile_overlayer_lowered:
.L_overlay_start_2:
0x5d: {  	(tag) =	ssettag $0x2  }
0x5e: {  	s0 =	rddreg [dreg:$0x0];
	s2 =	stileid.u32  }
0x5f: {  	s1 =	rddreg [dreg:$0x1];
	p0 =	sne.s32 s2, $0x0  }
0x60: {  	s3 =	rddreg [dreg:$0x2];
	[bflag:$0x3] =	sbarrier.arrive $0xFFFF;
	s2 =	simm.s32 @!p0 $0x1C01  }
0x61: {  	[timem:s3], [sflag:s2] =	dma.local @!p0 [hbm:s0], s1  }
0x62: {  	s0 =	simm.s32 @!p0 $0x1  }
0x63: {  	_ =	swait.ge @!p0 [sflag:s0], s1  }
0x64: {  	s1 =	ssub.s32 @!p0 $0x0, s1;
	[sflag:s0] =	ssyncset.done @!p0 $0x0  }
0x65: {  	[sflag:s0] =	ssyncadd.s32 @!p0 s1  }
0x66: {  	[bflag:$0x3] =	sbarrier.arrive $0xFFFF  }
0x67: {  	_ =	shalt  }

</sc_bundles>
